<compile_context>
chip_gen: v7x
topology: tpu7x:2x2x1
jax: 0.10.2.dev20260603
libtpu: 0.0.44.dev20260713+nightly
codegen_flags: <defaults>
</compile_context>

<pallas_src>
import functools

import jax
import jax.numpy as jnp
from jax import lax
from jax.experimental import pallas as pl
from jax.experimental.pallas import tpu as pltpu
from jax.experimental.pallas import tpu_sc as plsc

_L = 16


@functools.lru_cache(maxsize=None)
def _make_sc_kernel(B: int, T: int, V: int, D: int):
    info = plsc.get_sparse_core_info()
    nc, ns = info.num_cores, info.num_subcores
    nw = nc * ns
    rpw = D // nw
    assert D % nw == 0 and T % _L == 0

    mesh = plsc.VectorSubcoreMesh(core_axis_name="c", subcore_axis_name="s")

    @functools.partial(
        pl.kernel,
        mesh=mesh,
        compiler_params=pltpu.CompilerParams(
            use_tc_tiling_on_sc=True, needs_layout_passes=False
        ),
        out_type=jax.ShapeDtypeStruct((B, D, T), jnp.float32),
        scratch_types=[
            pltpu.VMEM((V,), jnp.float32),
            pltpu.VMEM((B * T,), jnp.int32),
            pltpu.VMEM((rpw, T), jnp.float32),
            pltpu.VMEM((2, T), jnp.float32),
            pltpu.SemaphoreType.DMA,
            pltpu.SemaphoreType.DMA,
            pltpu.SemaphoreType.DMA,
            pltpu.SemaphoreType.DMA,
        ],
    )
    def sc_kernel(
        x_hbm, tabT_hbm, posT_hbm, outT_hbm, row_v, idx_v, pos_v, obuf_v,
        row_sem, out_sem0, out_sem1, aux_sem,
    ):
        out_sems = [out_sem0, out_sem1]
        wid = lax.axis_index("s") * nc + lax.axis_index("c")
        d0 = rpw * wid
        row_cp = pltpu.async_copy(tabT_hbm.at[d0], row_v, row_sem)
        x_cps = [
            pltpu.async_copy(
                x_hbm.at[b], idx_v.at[pl.ds(b * T, T)], aux_sem
            )
            for b in range(B)
        ]
        pos_cp = pltpu.async_copy(
            posT_hbm.at[pl.ds(d0, rpw)], pos_v, aux_sem
        )
        for cp in x_cps:
            cp.wait()
        pos_cp.wait()
        row_cp.wait()

        unroll = 8
        n_out = 0

        for r in range(rpw):
            d = d0 + r
            for b in range(B):
                slot = n_out % 2

                if n_out >= 2:
                    pltpu.make_async_copy(
                        obuf_v.at[0], outT_hbm.at[0, 0], out_sems[slot]
                    ).wait()

                @plsc.parallel_loop(0, T, _L, unroll=unroll)
                def inner_b(off, _r=r, _b=b, _slot=slot):
                    ids = idx_v[pl.ds(_b * T + off, _L)]
                    vals = plsc.load_gather(row_v, [ids])
                    obuf_v[_slot, pl.ds(off, _L)] = (
                        vals + pos_v[_r, pl.ds(off, _L)]
                    )
                pltpu.async_copy(
                    obuf_v.at[slot], outT_hbm.at[b, d], out_sems[slot]
                )
                n_out += 1

            if r + 1 < rpw:
                pltpu.sync_copy(tabT_hbm.at[d0 + r + 1], row_v)

        for s in range(min(n_out, 2)):
            pltpu.make_async_copy(
                obuf_v.at[0], outT_hbm.at[0, 0], out_sems[s]
            ).wait()

    return sc_kernel


def kernel(x, token_table, position_table):
    B, T = x.shape
    V, D = token_table.shape
    sc_kernel = _make_sc_kernel(B, T, V, D)
    outT = sc_kernel(x.astype(jnp.int32), token_table.T, position_table.T)
    return jnp.transpose(outT, (0, 2, 1))

# --- scband reference (transcript-rebuilt; emitter-appended) ---
"""Pipeline reference for scband-token-and-position-embedding-37495064494180 (READ-ONLY COPY).

The authoritative reference and input builder live on the scoring server;
editing this copy changes nothing except your own understanding.
"""

import jax, jax.numpy as jnp
import numpy as np

VOCAB_SIZE = 100000
EMBED_DIM = 64
CONTEXT_LENGTH = 2048
BATCH = 4
SEQ_LEN = 2048


def setup_inputs(seed: int = 0) -> dict:
    key = jax.random.key(seed)
    k_x, k_tok, k_pos = jax.random.split(key, 3)
    x = jax.random.randint(k_x, (BATCH, SEQ_LEN), 0, VOCAB_SIZE, dtype=jnp.int64 if jax.config.jax_enable_x64 else jnp.int32)
    token_table = jax.random.normal(k_tok, (VOCAB_SIZE, EMBED_DIM), dtype=jnp.float32)
    position_table = jax.random.normal(k_pos, (CONTEXT_LENGTH, EMBED_DIM), dtype=jnp.float32)
    return {"x": x, "token_table": token_table, "position_table": position_table}


def reference(x, token_table, position_table):
    B, T = x.shape
    # token embedding lookup (gather)
    token_emb = jnp.take(token_table, x, axis=0)  # (B, T, D)
    # position embedding lookup
    positions = jnp.arange(T)
    pos_emb = jnp.take(position_table, positions, axis=0)  # (T, D)
    return token_emb + pos_emb[None, :, :]

if __name__ == "__main__":
    import jax
    _d = setup_inputs()
    print(jax.jit(kernel)(*tuple(_d.values())))

</pallas_src>

<mosaic_0001>
#map = affine_map<(d0, d1) -> (0, 0)>
#map1 = affine_map<(d0, d1) -> (0, 0, 0)>
module attributes {stable_mosaic.version = 14 : i64} {
  func.func @sc_kernel(%arg0: i32, %arg1: i32, %arg2: memref<4x2048xi32, #tpu.memory_space<hbm>>, %arg3: memref<64x100000xf32, #tpu.memory_space<hbm>>, %arg4: memref<64x2048xf32, #tpu.memory_space<hbm>>, %arg5: memref<4x64x2048xf32, #tpu.memory_space<hbm>>, %arg6: memref<100000xf32, #tpu.memory_space<vmem>>, %arg7: memref<8192xi32, #tpu.memory_space<vmem>>, %arg8: memref<2x2048xf32, #tpu.memory_space<vmem>>, %arg9: memref<2x2048xf32, #tpu.memory_space<vmem>>, %arg10: memref<!tpu.dma_semaphore, #tpu.memory_space<semaphore_mem>>, %arg11: memref<!tpu.dma_semaphore, #tpu.memory_space<semaphore_mem>>, %arg12: memref<!tpu.dma_semaphore, #tpu.memory_space<semaphore_mem>>, %arg13: memref<!tpu.dma_semaphore, #tpu.memory_space<semaphore_mem>>) attributes {dimension_semantics = [#tpu.dimension_semantics<core_parallel>, #tpu.dimension_semantics<subcore_parallel>], iteration_bounds = array<i64: 2, 16>, scalar_prefetch = 0 : i64, scratch_operands = 8 : i64, tpu.core_type = #tpu.core_type<sc_vector_subcore>, window_params = [{transform_indices = #map}, {transform_indices = #map}, {transform_indices = #map}, {transform_indices = #map1}]} {
    %mul3A = arith.constant 2 : i32
    %mul3A_0 = arith.muli %arg1, %mul3A : i32
    %add3A = arith.addi %mul3A_0, %arg0 : i32
    %mul3A_1 = arith.constant 2 : i32
    %mul3A_2 = arith.muli %mul3A_1, %add3A : i32
    %dma_start3A = arith.constant 0 : i32
    %dma_start3A_3 = tpu.memref_slice %arg3[%mul3A_2, %dma_start3A] : memref<64x100000xf32, #tpu.memory_space<hbm>> -> memref<1x100000xf32, #tpu.memory_space<hbm>>
    %dma_start3A_4 = tpu.memref_squeeze %dma_start3A_3 : memref<1x100000xf32, #tpu.memory_space<hbm>> -> memref<100000xf32, #tpu.memory_space<hbm>>
    %dma_start3A_5 = arith.constant 0 : i32
    %dma_start3A_6 = tpu.memref_slice %arg3[%mul3A_2, %dma_start3A_5] : memref<64x100000xf32, #tpu.memory_space<hbm>> -> memref<1x100000xf32, #tpu.memory_space<hbm>>
    %dma_start3A_7 = tpu.memref_squeeze %dma_start3A_6 : memref<1x100000xf32, #tpu.memory_space<hbm>> -> memref<100000xf32, #tpu.memory_space<hbm>>
    tpu.enqueue_dma source(%dma_start3A_7 : memref<100000xf32, #tpu.memory_space<hbm>>) target(%arg6 : memref<100000xf32, #tpu.memory_space<vmem>>) target_semaphore(%arg10 : memref<!tpu.dma_semaphore, #tpu.memory_space<semaphore_mem>>)
    %dma_start3A_8 = arith.constant 0 : i32
    %dma_start3A_9 = arith.constant 0 : i32
    %dma_start3A_10 = tpu.memref_slice %arg7[%dma_start3A_9] : memref<8192xi32, #tpu.memory_space<vmem>> -> memref<2048xi32, #tpu.memory_space<vmem>>
    %dma_start3A_11 = arith.constant 0 : i32
    %dma_start3A_12 = tpu.memref_slice %arg2[%dma_start3A_8, %dma_start3A_11] : memref<4x2048xi32, #tpu.memory_space<hbm>> -> memref<1x2048xi32, #tpu.memory_space<hbm>>
    %dma_start3A_13 = tpu.memref_squeeze %dma_start3A_12 : memref<1x2048xi32, #tpu.memory_space<hbm>> -> memref<2048xi32, #tpu.memory_space<hbm>>
    %dma_start3A_14 = arith.constant 0 : i32
    %dma_start3A_15 = tpu.memref_slice %arg7[%dma_start3A_14] : memref<8192xi32, #tpu.memory_space<vmem>> -> memref<2048xi32, #tpu.memory_space<vmem>>
    %dma_start3A_16 = arith.constant 0 : i32
    %dma_start3A_17 = tpu.memref_slice %arg2[%dma_start3A_8, %dma_start3A_16] : memref<4x2048xi32, #tpu.memory_space<hbm>> -> memref<1x2048xi32, #tpu.memory_space<hbm>>
    %dma_start3A_18 = tpu.memref_squeeze %dma_start3A_17 : memref<1x2048xi32, #tpu.memory_space<hbm>> -> memref<2048xi32, #tpu.memory_space<hbm>>
    tpu.enqueue_dma source(%dma_start3A_18 : memref<2048xi32, #tpu.memory_space<hbm>>) target(%dma_start3A_15 : memref<2048xi32, #tpu.memory_space<vmem>>) target_semaphore(%arg13 : memref<!tpu.dma_semaphore, #tpu.memory_space<semaphore_mem>>)
    %dma_start3A_19 = arith.constant 1 : i32
    %dma_start3A_20 = arith.constant 2048 : i32
    %dma_start3A_21 = tpu.memref_slice %arg7[%dma_start3A_20] : memref<8192xi32, #tpu.memory_space<vmem>> -> memref<2048xi32, #tpu.memory_space<vmem>>
    %dma_start3A_22 = arith.constant 0 : i32
    %dma_start3A_23 = tpu.memref_slice %arg2[%dma_start3A_19, %dma_start3A_22] : memref<4x2048xi32, #tpu.memory_space<hbm>> -> memref<1x2048xi32, #tpu.memory_space<hbm>>
    %dma_start3A_24 = tpu.memref_squeeze %dma_start3A_23 : memref<1x2048xi32, #tpu.memory_space<hbm>> -> memref<2048xi32, #tpu.memory_space<hbm>>
    %dma_start3A_25 = arith.constant 2048 : i32
    %dma_start3A_26 = tpu.memref_slice %arg7[%dma_start3A_25] : memref<8192xi32, #tpu.memory_space<vmem>> -> memref<2048xi32, #tpu.memory_space<vmem>>
    %dma_start3A_27 = arith.constant 0 : i32
    %dma_start3A_28 = tpu.memref_slice %arg2[%dma_start3A_19, %dma_start3A_27] : memref<4x2048xi32, #tpu.memory_space<hbm>> -> memref<1x2048xi32, #tpu.memory_space<hbm>>
    %dma_start3A_29 = tpu.memref_squeeze %dma_start3A_28 : memref<1x2048xi32, #tpu.memory_space<hbm>> -> memref<2048xi32, #tpu.memory_space<hbm>>
    tpu.enqueue_dma source(%dma_start3A_29 : memref<2048xi32, #tpu.memory_space<hbm>>) target(%dma_start3A_26 : memref<2048xi32, #tpu.memory_space<vmem>>) target_semaphore(%arg13 : memref<!tpu.dma_semaphore, #tpu.memory_space<semaphore_mem>>)
    %dma_start3A_30 = arith.constant 2 : i32
    %dma_start3A_31 = arith.constant 4096 : i32
    %dma_start3A_32 = tpu.memref_slice %arg7[%dma_start3A_31] : memref<8192xi32, #tpu.memory_space<vmem>> -> memref<2048xi32, #tpu.memory_space<vmem>>
    %dma_start3A_33 = arith.constant 0 : i32
    %dma_start3A_34 = tpu.memref_slice %arg2[%dma_start3A_30, %dma_start3A_33] : memref<4x2048xi32, #tpu.memory_space<hbm>> -> memref<1x2048xi32, #tpu.memory_space<hbm>>
    %dma_start3A_35 = tpu.memref_squeeze %dma_start3A_34 : memref<1x2048xi32, #tpu.memory_space<hbm>> -> memref<2048xi32, #tpu.memory_space<hbm>>
    %dma_start3A_36 = arith.constant 4096 : i32
    %dma_start3A_37 = tpu.memref_slice %arg7[%dma_start3A_36] : memref<8192xi32, #tpu.memory_space<vmem>> -> memref<2048xi32, #tpu.memory_space<vmem>>
    %dma_start3A_38 = arith.constant 0 : i32
    %dma_start3A_39 = tpu.memref_slice %arg2[%dma_start3A_30, %dma_start3A_38] : memref<4x2048xi32, #tpu.memory_space<hbm>> -> memref<1x2048xi32, #tpu.memory_space<hbm>>
    %dma_start3A_40 = tpu.memref_squeeze %dma_start3A_39 : memref<1x2048xi32, #tpu.memory_space<hbm>> -> memref<2048xi32, #tpu.memory_space<hbm>>
    tpu.enqueue_dma source(%dma_start3A_40 : memref<2048xi32, #tpu.memory_space<hbm>>) target(%dma_start3A_37 : memref<2048xi32, #tpu.memory_space<vmem>>) target_semaphore(%arg13 : memref<!tpu.dma_semaphore, #tpu.memory_space<semaphore_mem>>)
    %dma_start3A_41 = arith.constant 3 : i32
    %dma_start3A_42 = arith.constant 6144 : i32
    %dma_start3A_43 = tpu.memref_slice %arg7[%dma_start3A_42] : memref<8192xi32, #tpu.memory_space<vmem>> -> memref<2048xi32, #tpu.memory_space<vmem>>
    %dma_start3A_44 = arith.constant 0 : i32
    %dma_start3A_45 = tpu.memref_slice %arg2[%dma_start3A_41, %dma_start3A_44] : memref<4x2048xi32, #tpu.memory_space<hbm>> -> memref<1x2048xi32, #tpu.memory_space<hbm>>
    %dma_start3A_46 = tpu.memref_squeeze %dma_start3A_45 : memref<1x2048xi32, #tpu.memory_space<hbm>> -> memref<2048xi32, #tpu.memory_space<hbm>>
    %dma_start3A_47 = arith.constant 6144 : i32
    %dma_start3A_48 = tpu.memref_slice %arg7[%dma_start3A_47] : memref<8192xi32, #tpu.memory_space<vmem>> -> memref<2048xi32, #tpu.memory_space<vmem>>
    %dma_start3A_49 = arith.constant 0 : i32
    %dma_start3A_50 = tpu.memref_slice %arg2[%dma_start3A_41, %dma_start3A_49] : memref<4x2048xi32, #tpu.memory_space<hbm>> -> memref<1x2048xi32, #tpu.memory_space<hbm>>
    %dma_start3A_51 = tpu.memref_squeeze %dma_start3A_50 : memref<1x2048xi32, #tpu.memory_space<hbm>> -> memref<2048xi32, #tpu.memory_space<hbm>>
    tpu.enqueue_dma source(%dma_start3A_51 : memref<2048xi32, #tpu.memory_space<hbm>>) target(%dma_start3A_48 : memref<2048xi32, #tpu.memory_space<vmem>>) target_semaphore(%arg13 : memref<!tpu.dma_semaphore, #tpu.memory_space<semaphore_mem>>)
    %dma_start3A_52 = arith.constant 0 : i32
    %dma_start3A_53 = tpu.memref_slice %arg4[%mul3A_2, %dma_start3A_52] : memref<64x2048xf32, #tpu.memory_space<hbm>> -> memref<2x2048xf32, #tpu.memory_space<hbm>>
    %dma_start3A_54 = arith.constant 0 : i32
    %dma_start3A_55 = tpu.memref_slice %arg4[%mul3A_2, %dma_start3A_54] : memref<64x2048xf32, #tpu.memory_space<hbm>> -> memref<2x2048xf32, #tpu.memory_space<hbm>>
    tpu.enqueue_dma source(%dma_start3A_55 : memref<2x2048xf32, #tpu.memory_space<hbm>>) target(%arg8 : memref<2x2048xf32, #tpu.memory_space<vmem>>) target_semaphore(%arg13 : memref<!tpu.dma_semaphore, #tpu.memory_space<semaphore_mem>>)
    %dma_wait3A = arith.constant 0 : i32
    %dma_wait3A_56 = arith.constant 0 : i32
    %dma_wait3A_57 = tpu.memref_slice %arg7[%dma_wait3A_56] : memref<8192xi32, #tpu.memory_space<vmem>> -> memref<2048xi32, #tpu.memory_space<vmem>>
    %dma_wait3A_58 = arith.constant 0 : i32
    %dma_wait3A_59 = tpu.memref_slice %arg2[%dma_wait3A, %dma_wait3A_58] : memref<4x2048xi32, #tpu.memory_space<hbm>> -> memref<1x2048xi32, #tpu.memory_space<hbm>>
    %dma_wait3A_60 = tpu.memref_squeeze %dma_wait3A_59 : memref<1x2048xi32, #tpu.memory_space<hbm>> -> memref<2048xi32, #tpu.memory_space<hbm>>
    %dma_wait3A_61 = arith.constant 0 : i32
    %dma_wait3A_62 = tpu.memref_slice %arg7[%dma_wait3A_61] : memref<8192xi32, #tpu.memory_space<vmem>> -> memref<2048xi32, #tpu.memory_space<vmem>>
    %dma_wait3A_63 = arith.constant 0 : i32
    %dma_wait3A_64 = tpu.memref_slice %arg2[%dma_wait3A, %dma_wait3A_63] : memref<4x2048xi32, #tpu.memory_space<hbm>> -> memref<1x2048xi32, #tpu.memory_space<hbm>>
    %dma_wait3A_65 = tpu.memref_squeeze %dma_wait3A_64 : memref<1x2048xi32, #tpu.memory_space<hbm>> -> memref<2048xi32, #tpu.memory_space<hbm>>
    tpu.wait_dma2 semaphore(%arg13 : memref<!tpu.dma_semaphore, #tpu.memory_space<semaphore_mem>>) src(%dma_wait3A_65 : memref<2048xi32, #tpu.memory_space<hbm>>) dst(%dma_wait3A_62 : memref<2048xi32, #tpu.memory_space<vmem>>)
    %dma_wait3A_66 = arith.constant 1 : i32
    %dma_wait3A_67 = arith.constant 2048 : i32
    %dma_wait3A_68 = tpu.memref_slice %arg7[%dma_wait3A_67] : memref<8192xi32, #tpu.memory_space<vmem>> -> memref<2048xi32, #tpu.memory_space<vmem>>
    %dma_wait3A_69 = arith.constant 0 : i32
    %dma_wait3A_70 = tpu.memref_slice %arg2[%dma_wait3A_66, %dma_wait3A_69] : memref<4x2048xi32, #tpu.memory_space<hbm>> -> memref<1x2048xi32, #tpu.memory_space<hbm>>
    %dma_wait3A_71 = tpu.memref_squeeze %dma_wait3A_70 : memref<1x2048xi32, #tpu.memory_space<hbm>> -> memref<2048xi32, #tpu.memory_space<hbm>>
    %dma_wait3A_72 = arith.constant 2048 : i32
    %dma_wait3A_73 = tpu.memref_slice %arg7[%dma_wait3A_72] : memref<8192xi32, #tpu.memory_space<vmem>> -> memref<2048xi32, #tpu.memory_space<vmem>>
    %dma_wait3A_74 = arith.constant 0 : i32
    %dma_wait3A_75 = tpu.memref_slice %arg2[%dma_wait3A_66, %dma_wait3A_74] : memref<4x2048xi32, #tpu.memory_space<hbm>> -> memref<1x2048xi32, #tpu.memory_space<hbm>>
    %dma_wait3A_76 = tpu.memref_squeeze %dma_wait3A_75 : memref<1x2048xi32, #tpu.memory_space<hbm>> -> memref<2048xi32, #tpu.memory_space<hbm>>
    tpu.wait_dma2 semaphore(%arg13 : memref<!tpu.dma_semaphore, #tpu.memory_space<semaphore_mem>>) src(%dma_wait3A_76 : memref<2048xi32, #tpu.memory_space<hbm>>) dst(%dma_wait3A_73 : memref<2048xi32, #tpu.memory_space<vmem>>)
    %dma_wait3A_77 = arith.constant 2 : i32
    %dma_wait3A_78 = arith.constant 4096 : i32
    %dma_wait3A_79 = tpu.memref_slice %arg7[%dma_wait3A_78] : memref<8192xi32, #tpu.memory_space<vmem>> -> memref<2048xi32, #tpu.memory_space<vmem>>
    %dma_wait3A_80 = arith.constant 0 : i32
    %dma_wait3A_81 = tpu.memref_slice %arg2[%dma_wait3A_77, %dma_wait3A_80] : memref<4x2048xi32, #tpu.memory_space<hbm>> -> memref<1x2048xi32, #tpu.memory_space<hbm>>
    %dma_wait3A_82 = tpu.memref_squeeze %dma_wait3A_81 : memref<1x2048xi32, #tpu.memory_space<hbm>> -> memref<2048xi32, #tpu.memory_space<hbm>>
    %dma_wait3A_83 = arith.constant 4096 : i32
    %dma_wait3A_84 = tpu.memref_slice %arg7[%dma_wait3A_83] : memref<8192xi32, #tpu.memory_space<vmem>> -> memref<2048xi32, #tpu.memory_space<vmem>>
    %dma_wait3A_85 = arith.constant 0 : i32
    %dma_wait3A_86 = tpu.memref_slice %arg2[%dma_wait3A_77, %dma_wait3A_85] : memref<4x2048xi32, #tpu.memory_space<hbm>> -> memref<1x2048xi32, #tpu.memory_space<hbm>>
    %dma_wait3A_87 = tpu.memref_squeeze %dma_wait3A_86 : memref<1x2048xi32, #tpu.memory_space<hbm>> -> memref<2048xi32, #tpu.memory_space<hbm>>
    tpu.wait_dma2 semaphore(%arg13 : memref<!tpu.dma_semaphore, #tpu.memory_space<semaphore_mem>>) src(%dma_wait3A_87 : memref<2048xi32, #tpu.memory_space<hbm>>) dst(%dma_wait3A_84 : memref<2048xi32, #tpu.memory_space<vmem>>)
    %dma_wait3A_88 = arith.constant 3 : i32
    %dma_wait3A_89 = arith.constant 6144 : i32
    %dma_wait3A_90 = tpu.memref_slice %arg7[%dma_wait3A_89] : memref<8192xi32, #tpu.memory_space<vmem>> -> memref<2048xi32, #tpu.memory_space<vmem>>
    %dma_wait3A_91 = arith.constant 0 : i32
    %dma_wait3A_92 = tpu.memref_slice %arg2[%dma_wait3A_88, %dma_wait3A_91] : memref<4x2048xi32, #tpu.memory_space<hbm>> -> memref<1x2048xi32, #tpu.memory_space<hbm>>
    %dma_wait3A_93 = tpu.memref_squeeze %dma_wait3A_92 : memref<1x2048xi32, #tpu.memory_space<hbm>> -> memref<2048xi32, #tpu.memory_space<hbm>>
    %dma_wait3A_94 = arith.constant 6144 : i32
    %dma_wait3A_95 = tpu.memref_slice %arg7[%dma_wait3A_94] : memref<8192xi32, #tpu.memory_space<vmem>> -> memref<2048xi32, #tpu.memory_space<vmem>>
    %dma_wait3A_96 = arith.constant 0 : i32
    %dma_wait3A_97 = tpu.memref_slice %arg2[%dma_wait3A_88, %dma_wait3A_96] : memref<4x2048xi32, #tpu.memory_space<hbm>> -> memref<1x2048xi32, #tpu.memory_space<hbm>>
    %dma_wait3A_98 = tpu.memref_squeeze %dma_wait3A_97 : memref<1x2048xi32, #tpu.memory_space<hbm>> -> memref<2048xi32, #tpu.memory_space<hbm>>
    tpu.wait_dma2 semaphore(%arg13 : memref<!tpu.dma_semaphore, #tpu.memory_space<semaphore_mem>>) src(%dma_wait3A_98 : memref<2048xi32, #tpu.memory_space<hbm>>) dst(%dma_wait3A_95 : memref<2048xi32, #tpu.memory_space<vmem>>)
    %dma_wait3A_99 = arith.constant 0 : i32
    %dma_wait3A_100 = tpu.memref_slice %arg4[%mul3A_2, %dma_wait3A_99] : memref<64x2048xf32, #tpu.memory_space<hbm>> -> memref<2x2048xf32, #tpu.memory_space<hbm>>
    %dma_wait3A_101 = arith.constant 0 : i32
    %dma_wait3A_102 = tpu.memref_slice %arg4[%mul3A_2, %dma_wait3A_101] : memref<64x2048xf32, #tpu.memory_space<hbm>> -> memref<2x2048xf32, #tpu.memory_space<hbm>>
    tpu.wait_dma2 semaphore(%arg13 : memref<!tpu.dma_semaphore, #tpu.memory_space<semaphore_mem>>) src(%dma_wait3A_102 : memref<2x2048xf32, #tpu.memory_space<hbm>>) dst(%arg8 : memref<2x2048xf32, #tpu.memory_space<vmem>>)
    %dma_wait3A_103 = arith.constant 0 : i32
    %dma_wait3A_104 = tpu.memref_slice %arg3[%mul3A_2, %dma_wait3A_103] : memref<64x100000xf32, #tpu.memory_space<hbm>> -> memref<1x100000xf32, #tpu.memory_space<hbm>>
    %dma_wait3A_105 = tpu.memref_squeeze %dma_wait3A_104 : memref<1x100000xf32, #tpu.memory_space<hbm>> -> memref<100000xf32, #tpu.memory_space<hbm>>
    %dma_wait3A_106 = arith.constant 0 : i32
    %dma_wait3A_107 = tpu.memref_slice %arg3[%mul3A_2, %dma_wait3A_106] : memref<64x100000xf32, #tpu.memory_space<hbm>> -> memref<1x100000xf32, #tpu.memory_space<hbm>>
    %dma_wait3A_108 = tpu.memref_squeeze %dma_wait3A_107 : memref<1x100000xf32, #tpu.memory_space<hbm>> -> memref<100000xf32, #tpu.memory_space<hbm>>
    tpu.wait_dma2 semaphore(%arg10 : memref<!tpu.dma_semaphore, #tpu.memory_space<semaphore_mem>>) src(%dma_wait3A_108 : memref<100000xf32, #tpu.memory_space<hbm>>) dst(%arg6 : memref<100000xf32, #tpu.memory_space<vmem>>)
    %add3A_109 = arith.constant 0 : i32
    %add3A_110 = arith.addi %mul3A_2, %add3A_109 : i32
    %parallel_loop3A = arith.constant 0 : i32
    %parallel_loop3A_111 = arith.constant 2048 : i32
    %parallel_loop3A_112 = arith.constant 16 : i32
    scf.for %parallel_loop3A_372 = %parallel_loop3A to %parallel_loop3A_111 step %parallel_loop3A_112  : i32 {
      %parallel_loop3A_373 = arith.constant 0 : i32
      %parallel_loop3A_374 = arith.addi %parallel_loop3A_373, %parallel_loop3A_372 : i32
      %parallel_loop3A_375 = arith.index_cast %parallel_loop3A_374 : i32 to index
      %parallel_loop3A_376 = tpu.vector_load %arg7[%parallel_loop3A_375] {strides = array<i32>} : memref<8192xi32, #tpu.memory_space<vmem>>, vector<16xi32>,
      %parallel_loop3A_377 = tpu.vector_load_idx %arg6[%parallel_loop3A_376] : memref<100000xf32, #tpu.memory_space<vmem>>[vector<16xi32>], vector<16xf32>,
      %parallel_loop3A_378 = arith.constant 0 : i32
      %parallel_loop3A_379 = arith.index_cast %parallel_loop3A_378 : i32 to index
      %parallel_loop3A_380 = arith.index_cast %parallel_loop3A_372 : i32 to index
      %parallel_loop3A_381 = tpu.vector_load %arg8[%parallel_loop3A_379, %parallel_loop3A_380] {strides = array<i32>} : memref<2x2048xf32, #tpu.memory_space<vmem>>, vector<16xf32>,
      %parallel_loop3A_382 = arith.addf %parallel_loop3A_377, %parallel_loop3A_381 : vector<16xf32>
      %parallel_loop3A_383 = arith.constant 0 : i32
      %parallel_loop3A_384 = arith.index_cast %parallel_loop3A_383 : i32 to index
      %parallel_loop3A_385 = arith.index_cast %parallel_loop3A_372 : i32 to index
      %parallel_loop3A_386 = tpu.vector_load %arg9[%parallel_loop3A_384, %parallel_loop3A_385] {strides = array<i32>} : memref<2x2048xf32, #tpu.memory_space<vmem>>, vector<16xf32>,
      tpu.vector_store %arg9[%parallel_loop3A_384, %parallel_loop3A_385], %parallel_loop3A_382 {strides = array<i32>} : memref<2x2048xf32, #tpu.memory_space<vmem>>, vector<16xf32>,
    } {sc.loop_unroll_factor = 8 : i64, sc.parallel_access}
    %dma_start3A_113 = arith.constant 0 : i32
    %dma_start3A_114 = arith.constant 0 : i32
    %dma_start3A_115 = arith.constant 0 : i32
    %dma_start3A_116 = tpu.memref_slice %arg9[%dma_start3A_113, %dma_start3A_115] : memref<2x2048xf32, #tpu.memory_space<vmem>> -> memref<1x2048xf32, #tpu.memory_space<vmem>>
    %dma_start3A_117 = tpu.memref_squeeze %dma_start3A_116 : memref<1x2048xf32, #tpu.memory_space<vmem>> -> memref<2048xf32, #tpu.memory_space<vmem>>
    %dma_start3A_118 = arith.constant 0 : i32
    %dma_start3A_119 = tpu.memref_slice %arg5[%dma_start3A_114, %add3A_110, %dma_start3A_118] : memref<4x64x2048xf32, #tpu.memory_space<hbm>> -> memref<1x1x2048xf32, #tpu.memory_space<hbm>>
    %dma_start3A_120 = tpu.memref_squeeze %dma_start3A_119 : memref<1x1x2048xf32, #tpu.memory_space<hbm>> -> memref<2048xf32, #tpu.memory_space<hbm>>
    %dma_start3A_121 = arith.constant 0 : i32
    %dma_start3A_122 = tpu.memref_slice %arg5[%dma_start3A_114, %add3A_110, %dma_start3A_121] : memref<4x64x2048xf32, #tpu.memory_space<hbm>> -> memref<1x1x2048xf32, #tpu.memory_space<hbm>>
    %dma_start3A_123 = tpu.memref_squeeze %dma_start3A_122 : memref<1x1x2048xf32, #tpu.memory_space<hbm>> -> memref<2048xf32, #tpu.memory_space<hbm>>
    %dma_start3A_124 = arith.constant 0 : i32
    %dma_start3A_125 = tpu.memref_slice %arg9[%dma_start3A_113, %dma_start3A_124] : memref<2x2048xf32, #tpu.memory_space<vmem>> -> memref<1x2048xf32, #tpu.memory_space<vmem>>
    %dma_start3A_126 = tpu.memref_squeeze %dma_start3A_125 : memref<1x2048xf32, #tpu.memory_space<vmem>> -> memref<2048xf32, #tpu.memory_space<vmem>>
    tpu.enqueue_dma source(%dma_start3A_126 : memref<2048xf32, #tpu.memory_space<vmem>>) target(%dma_start3A_123 : memref<2048xf32, #tpu.memory_space<hbm>>) target_semaphore(%arg11 : memref<!tpu.dma_semaphore, #tpu.memory_space<semaphore_mem>>)
    %parallel_loop3A_127 = arith.constant 0 : i32
    %parallel_loop3A_128 = arith.constant 2048 : i32
    %parallel_loop3A_129 = arith.constant 16 : i32
    scf.for %parallel_loop3A_372 = %parallel_loop3A_127 to %parallel_loop3A_128 step %parallel_loop3A_129  : i32 {
      %parallel_loop3A_373 = arith.constant 2048 : i32
      %parallel_loop3A_374 = arith.addi %parallel_loop3A_373, %parallel_loop3A_372 : i32
      %parallel_loop3A_375 = arith.index_cast %parallel_loop3A_374 : i32 to index
      %parallel_loop3A_376 = tpu.vector_load %arg7[%parallel_loop3A_375] {strides = array<i32>} : memref<8192xi32, #tpu.memory_space<vmem>>, vector<16xi32>,
      %parallel_loop3A_377 = tpu.vector_load_idx %arg6[%parallel_loop3A_376] : memref<100000xf32, #tpu.memory_space<vmem>>[vector<16xi32>], vector<16xf32>,
      %parallel_loop3A_378 = arith.constant 0 : i32
      %parallel_loop3A_379 = arith.index_cast %parallel_loop3A_378 : i32 to index
      %parallel_loop3A_380 = arith.index_cast %parallel_loop3A_372 : i32 to index
      %parallel_loop3A_381 = tpu.vector_load %arg8[%parallel_loop3A_379, %parallel_loop3A_380] {strides = array<i32>} : memref<2x2048xf32, #tpu.memory_space<vmem>>, vector<16xf32>,
      %parallel_loop3A_382 = arith.addf %parallel_loop3A_377, %parallel_loop3A_381 : vector<16xf32>
      %parallel_loop3A_383 = arith.constant 1 : i32
      %parallel_loop3A_384 = arith.index_cast %parallel_loop3A_383 : i32 to index
      %parallel_loop3A_385 = arith.index_cast %parallel_loop3A_372 : i32 to index
      %parallel_loop3A_386 = tpu.vector_load %arg9[%parallel_loop3A_384, %parallel_loop3A_385] {strides = array<i32>} : memref<2x2048xf32, #tpu.memory_space<vmem>>, vector<16xf32>,
      tpu.vector_store %arg9[%parallel_loop3A_384, %parallel_loop3A_385], %parallel_loop3A_382 {strides = array<i32>} : memref<2x2048xf32, #tpu.memory_space<vmem>>, vector<16xf32>,
    } {sc.loop_unroll_factor = 8 : i64, sc.parallel_access}
    %dma_start3A_130 = arith.constant 1 : i32
    %dma_start3A_131 = arith.constant 1 : i32
    %dma_start3A_132 = arith.constant 0 : i32
    %dma_start3A_133 = tpu.memref_slice %arg9[%dma_start3A_130, %dma_start3A_132] : memref<2x2048xf32, #tpu.memory_space<vmem>> -> memref<1x2048xf32, #tpu.memory_space<vmem>>
    %dma_start3A_134 = tpu.memref_squeeze %dma_start3A_133 : memref<1x2048xf32, #tpu.memory_space<vmem>> -> memref<2048xf32, #tpu.memory_space<vmem>>
    %dma_start3A_135 = arith.constant 0 : i32
    %dma_start3A_136 = tpu.memref_slice %arg5[%dma_start3A_131, %add3A_110, %dma_start3A_135] : memref<4x64x2048xf32, #tpu.memory_space<hbm>> -> memref<1x1x2048xf32, #tpu.memory_space<hbm>>
    %dma_start3A_137 = tpu.memref_squeeze %dma_start3A_136 : memref<1x1x2048xf32, #tpu.memory_space<hbm>> -> memref<2048xf32, #tpu.memory_space<hbm>>
    %dma_start3A_138 = arith.constant 0 : i32
    %dma_start3A_139 = tpu.memref_slice %arg5[%dma_start3A_131, %add3A_110, %dma_start3A_138] : memref<4x64x2048xf32, #tpu.memory_space<hbm>> -> memref<1x1x2048xf32, #tpu.memory_space<hbm>>
    %dma_start3A_140 = tpu.memref_squeeze %dma_start3A_139 : memref<1x1x2048xf32, #tpu.memory_space<hbm>> -> memref<2048xf32, #tpu.memory_space<hbm>>
    %dma_start3A_141 = arith.constant 0 : i32
    %dma_start3A_142 = tpu.memref_slice %arg9[%dma_start3A_130, %dma_start3A_141] : memref<2x2048xf32, #tpu.memory_space<vmem>> -> memref<1x2048xf32, #tpu.memory_space<vmem>>
    %dma_start3A_143 = tpu.memref_squeeze %dma_start3A_142 : memref<1x2048xf32, #tpu.memory_space<vmem>> -> memref<2048xf32, #tpu.memory_space<vmem>>
    tpu.enqueue_dma source(%dma_start3A_143 : memref<2048xf32, #tpu.memory_space<vmem>>) target(%dma_start3A_140 : memref<2048xf32, #tpu.memory_space<hbm>>) target_semaphore(%arg12 : memref<!tpu.dma_semaphore, #tpu.memory_space<semaphore_mem>>)
    %dma_wait3A_144 = arith.constant 0 : i32
    %dma_wait3A_145 = arith.constant 0 : i32
    %dma_wait3A_146 = arith.constant 0 : i32
    %dma_wait3A_147 = arith.constant 0 : i32
    %dma_wait3A_148 = tpu.memref_slice %arg9[%dma_wait3A_144, %dma_wait3A_147] : memref<2x2048xf32, #tpu.memory_space<vmem>> -> memref<1x2048xf32, #tpu.memory_space<vmem>>
    %dma_wait3A_149 = tpu.memref_squeeze %dma_wait3A_148 : memref<1x2048xf32, #tpu.memory_space<vmem>> -> memref<2048xf32, #tpu.memory_space<vmem>>
    %dma_wait3A_150 = arith.constant 0 : i32
    %dma_wait3A_151 = tpu.memref_slice %arg5[%dma_wait3A_145, %dma_wait3A_146, %dma_wait3A_150] : memref<4x64x2048xf32, #tpu.memory_space<hbm>> -> memref<1x1x2048xf32, #tpu.memory_space<hbm>>
    %dma_wait3A_152 = tpu.memref_squeeze %dma_wait3A_151 : memref<1x1x2048xf32, #tpu.memory_space<hbm>> -> memref<2048xf32, #tpu.memory_space<hbm>>
    %dma_wait3A_153 = arith.constant 0 : i32
    %dma_wait3A_154 = tpu.memref_slice %arg5[%dma_wait3A_145, %dma_wait3A_146, %dma_wait3A_153] : memref<4x64x2048xf32, #tpu.memory_space<hbm>> -> memref<1x1x2048xf32, #tpu.memory_space<hbm>>
    %dma_wait3A_155 = tpu.memref_squeeze %dma_wait3A_154 : memref<1x1x2048xf32, #tpu.memory_space<hbm>> -> memref<2048xf32, #tpu.memory_space<hbm>>
    %dma_wait3A_156 = arith.constant 0 : i32
    %dma_wait3A_157 = tpu.memref_slice %arg9[%dma_wait3A_144, %dma_wait3A_156] : memref<2x2048xf32, #tpu.memory_space<vmem>> -> memref<1x2048xf32, #tpu.memory_space<vmem>>
    %dma_wait3A_158 = tpu.memref_squeeze %dma_wait3A_157 : memref<1x2048xf32, #tpu.memory_space<vmem>> -> memref<2048xf32, #tpu.memory_space<vmem>>
    tpu.wait_dma2 semaphore(%arg11 : memref<!tpu.dma_semaphore, #tpu.memory_space<semaphore_mem>>) src(%dma_wait3A_158 : memref<2048xf32, #tpu.memory_space<vmem>>) dst(%dma_wait3A_155 : memref<2048xf32, #tpu.memory_space<hbm>>)
    %parallel_loop3A_159 = arith.constant 0 : i32
    %parallel_loop3A_160 = arith.constant 2048 : i32
    %parallel_loop3A_161 = arith.constant 16 : i32
    scf.for %parallel_loop3A_372 = %parallel_loop3A_159 to %parallel_loop3A_160 step %parallel_loop3A_161  : i32 {
      %parallel_loop3A_373 = arith.constant 4096 : i32
      %parallel_loop3A_374 = arith.addi %parallel_loop3A_373, %parallel_loop3A_372 : i32
      %parallel_loop3A_375 = arith.index_cast %parallel_loop3A_374 : i32 to index
      %parallel_loop3A_376 = tpu.vector_load %arg7[%parallel_loop3A_375] {strides = array<i32>} : memref<8192xi32, #tpu.memory_space<vmem>>, vector<16xi32>,
      %parallel_loop3A_377 = tpu.vector_load_idx %arg6[%parallel_loop3A_376] : memref<100000xf32, #tpu.memory_space<vmem>>[vector<16xi32>], vector<16xf32>,
      %parallel_loop3A_378 = arith.constant 0 : i32
      %parallel_loop3A_379 = arith.index_cast %parallel_loop3A_378 : i32 to index
      %parallel_loop3A_380 = arith.index_cast %parallel_loop3A_372 : i32 to index
      %parallel_loop3A_381 = tpu.vector_load %arg8[%parallel_loop3A_379, %parallel_loop3A_380] {strides = array<i32>} : memref<2x2048xf32, #tpu.memory_space<vmem>>, vector<16xf32>,
      %parallel_loop3A_382 = arith.addf %parallel_loop3A_377, %parallel_loop3A_381 : vector<16xf32>
      %parallel_loop3A_383 = arith.constant 0 : i32
      %parallel_loop3A_384 = arith.index_cast %parallel_loop3A_383 : i32 to index
      %parallel_loop3A_385 = arith.index_cast %parallel_loop3A_372 : i32 to index
      %parallel_loop3A_386 = tpu.vector_load %arg9[%parallel_loop3A_384, %parallel_loop3A_385] {strides = array<i32>} : memref<2x2048xf32, #tpu.memory_space<vmem>>, vector<16xf32>,
      tpu.vector_store %arg9[%parallel_loop3A_384, %parallel_loop3A_385], %parallel_loop3A_382 {strides = array<i32>} : memref<2x2048xf32, #tpu.memory_space<vmem>>, vector<16xf32>,
    } {sc.loop_unroll_factor = 8 : i64, sc.parallel_access}
    %dma_start3A_162 = arith.constant 0 : i32
    %dma_start3A_163 = arith.constant 2 : i32
    %dma_start3A_164 = arith.constant 0 : i32
    %dma_start3A_165 = tpu.memref_slice %arg9[%dma_start3A_162, %dma_start3A_164] : memref<2x2048xf32, #tpu.memory_space<vmem>> -> memref<1x2048xf32, #tpu.memory_space<vmem>>
    %dma_start3A_166 = tpu.memref_squeeze %dma_start3A_165 : memref<1x2048xf32, #tpu.memory_space<vmem>> -> memref<2048xf32, #tpu.memory_space<vmem>>
    %dma_start3A_167 = arith.constant 0 : i32
    %dma_start3A_168 = tpu.memref_slice %arg5[%dma_start3A_163, %add3A_110, %dma_start3A_167] : memref<4x64x2048xf32, #tpu.memory_space<hbm>> -> memref<1x1x2048xf32, #tpu.memory_space<hbm>>
    %dma_start3A_169 = tpu.memref_squeeze %dma_start3A_168 : memref<1x1x2048xf32, #tpu.memory_space<hbm>> -> memref<2048xf32, #tpu.memory_space<hbm>>
    %dma_start3A_170 = arith.constant 0 : i32
    %dma_start3A_171 = tpu.memref_slice %arg5[%dma_start3A_163, %add3A_110, %dma_start3A_170] : memref<4x64x2048xf32, #tpu.memory_space<hbm>> -> memref<1x1x2048xf32, #tpu.memory_space<hbm>>
    %dma_start3A_172 = tpu.memref_squeeze %dma_start3A_171 : memref<1x1x2048xf32, #tpu.memory_space<hbm>> -> memref<2048xf32, #tpu.memory_space<hbm>>
    %dma_start3A_173 = arith.constant 0 : i32
    %dma_start3A_174 = tpu.memref_slice %arg9[%dma_start3A_162, %dma_start3A_173] : memref<2x2048xf32, #tpu.memory_space<vmem>> -> memref<1x2048xf32, #tpu.memory_space<vmem>>
    %dma_start3A_175 = tpu.memref_squeeze %dma_start3A_174 : memref<1x2048xf32, #tpu.memory_space<vmem>> -> memref<2048xf32, #tpu.memory_space<vmem>>
    tpu.enqueue_dma source(%dma_start3A_175 : memref<2048xf32, #tpu.memory_space<vmem>>) target(%dma_start3A_172 : memref<2048xf32, #tpu.memory_space<hbm>>) target_semaphore(%arg11 : memref<!tpu.dma_semaphore, #tpu.memory_space<semaphore_mem>>)
    %dma_wait3A_176 = arith.constant 0 : i32
    %dma_wait3A_177 = arith.constant 0 : i32
    %dma_wait3A_178 = arith.constant 0 : i32
    %dma_wait3A_179 = arith.constant 0 : i32
    %dma_wait3A_180 = tpu.memref_slice %arg9[%dma_wait3A_176, %dma_wait3A_179] : memref<2x2048xf32, #tpu.memory_space<vmem>> -> memref<1x2048xf32, #tpu.memory_space<vmem>>
    %dma_wait3A_181 = tpu.memref_squeeze %dma_wait3A_180 : memref<1x2048xf32, #tpu.memory_space<vmem>> -> memref<2048xf32, #tpu.memory_space<vmem>>
    %dma_wait3A_182 = arith.constant 0 : i32
    %dma_wait3A_183 = tpu.memref_slice %arg5[%dma_wait3A_177, %dma_wait3A_178, %dma_wait3A_182] : memref<4x64x2048xf32, #tpu.memory_space<hbm>> -> memref<1x1x2048xf32, #tpu.memory_space<hbm>>
    %dma_wait3A_184 = tpu.memref_squeeze %dma_wait3A_183 : memref<1x1x2048xf32, #tpu.memory_space<hbm>> -> memref<2048xf32, #tpu.memory_space<hbm>>
    %dma_wait3A_185 = arith.constant 0 : i32
    %dma_wait3A_186 = tpu.memref_slice %arg5[%dma_wait3A_177, %dma_wait3A_178, %dma_wait3A_185] : memref<4x64x2048xf32, #tpu.memory_space<hbm>> -> memref<1x1x2048xf32, #tpu.memory_space<hbm>>
    %dma_wait3A_187 = tpu.memref_squeeze %dma_wait3A_186 : memref<1x1x2048xf32, #tpu.memory_space<hbm>> -> memref<2048xf32, #tpu.memory_space<hbm>>
    %dma_wait3A_188 = arith.constant 0 : i32
    %dma_wait3A_189 = tpu.memref_slice %arg9[%dma_wait3A_176, %dma_wait3A_188] : memref<2x2048xf32, #tpu.memory_space<vmem>> -> memref<1x2048xf32, #tpu.memory_space<vmem>>
    %dma_wait3A_190 = tpu.memref_squeeze %dma_wait3A_189 : memref<1x2048xf32, #tpu.memory_space<vmem>> -> memref<2048xf32, #tpu.memory_space<vmem>>
    tpu.wait_dma2 semaphore(%arg12 : memref<!tpu.dma_semaphore, #tpu.memory_space<semaphore_mem>>) src(%dma_wait3A_190 : memref<2048xf32, #tpu.memory_space<vmem>>) dst(%dma_wait3A_187 : memref<2048xf32, #tpu.memory_space<hbm>>)
    %parallel_loop3A_191 = arith.constant 0 : i32
    %parallel_loop3A_192 = arith.constant 2048 : i32
    %parallel_loop3A_193 = arith.constant 16 : i32
    scf.for %parallel_loop3A_372 = %parallel_loop3A_191 to %parallel_loop3A_192 step %parallel_loop3A_193  : i32 {
      %parallel_loop3A_373 = arith.constant 6144 : i32
      %parallel_loop3A_374 = arith.addi %parallel_loop3A_373, %parallel_loop3A_372 : i32
      %parallel_loop3A_375 = arith.index_cast %parallel_loop3A_374 : i32 to index
      %parallel_loop3A_376 = tpu.vector_load %arg7[%parallel_loop3A_375] {strides = array<i32>} : memref<8192xi32, #tpu.memory_space<vmem>>, vector<16xi32>,
      %parallel_loop3A_377 = tpu.vector_load_idx %arg6[%parallel_loop3A_376] : memref<100000xf32, #tpu.memory_space<vmem>>[vector<16xi32>], vector<16xf32>,
      %parallel_loop3A_378 = arith.constant 0 : i32
      %parallel_loop3A_379 = arith.index_cast %parallel_loop3A_378 : i32 to index
      %parallel_loop3A_380 = arith.index_cast %parallel_loop3A_372 : i32 to index
      %parallel_loop3A_381 = tpu.vector_load %arg8[%parallel_loop3A_379, %parallel_loop3A_380] {strides = array<i32>} : memref<2x2048xf32, #tpu.memory_space<vmem>>, vector<16xf32>,
      %parallel_loop3A_382 = arith.addf %parallel_loop3A_377, %parallel_loop3A_381 : vector<16xf32>
      %parallel_loop3A_383 = arith.constant 1 : i32
      %parallel_loop3A_384 = arith.index_cast %parallel_loop3A_383 : i32 to index
      %parallel_loop3A_385 = arith.index_cast %parallel_loop3A_372 : i32 to index
      %parallel_loop3A_386 = tpu.vector_load %arg9[%parallel_loop3A_384, %parallel_loop3A_385] {strides = array<i32>} : memref<2x2048xf32, #tpu.memory_space<vmem>>, vector<16xf32>,
      tpu.vector_store %arg9[%parallel_loop3A_384, %parallel_loop3A_385], %parallel_loop3A_382 {strides = array<i32>} : memref<2x2048xf32, #tpu.memory_space<vmem>>, vector<16xf32>,
    } {sc.loop_unroll_factor = 8 : i64, sc.parallel_access}
    %dma_start3A_194 = arith.constant 1 : i32
    %dma_start3A_195 = arith.constant 3 : i32
    %dma_start3A_196 = arith.constant 0 : i32
    %dma_start3A_197 = tpu.memref_slice %arg9[%dma_start3A_194, %dma_start3A_196] : memref<2x2048xf32, #tpu.memory_space<vmem>> -> memref<1x2048xf32, #tpu.memory_space<vmem>>
    %dma_start3A_198 = tpu.memref_squeeze %dma_start3A_197 : memref<1x2048xf32, #tpu.memory_space<vmem>> -> memref<2048xf32, #tpu.memory_space<vmem>>
    %dma_start3A_199 = arith.constant 0 : i32
    %dma_start3A_200 = tpu.memref_slice %arg5[%dma_start3A_195, %add3A_110, %dma_start3A_199] : memref<4x64x2048xf32, #tpu.memory_space<hbm>> -> memref<1x1x2048xf32, #tpu.memory_space<hbm>>
    %dma_start3A_201 = tpu.memref_squeeze %dma_start3A_200 : memref<1x1x2048xf32, #tpu.memory_space<hbm>> -> memref<2048xf32, #tpu.memory_space<hbm>>
    %dma_start3A_202 = arith.constant 0 : i32
    %dma_start3A_203 = tpu.memref_slice %arg5[%dma_start3A_195, %add3A_110, %dma_start3A_202] : memref<4x64x2048xf32, #tpu.memory_space<hbm>> -> memref<1x1x2048xf32, #tpu.memory_space<hbm>>
    %dma_start3A_204 = tpu.memref_squeeze %dma_start3A_203 : memref<1x1x2048xf32, #tpu.memory_space<hbm>> -> memref<2048xf32, #tpu.memory_space<hbm>>
    %dma_start3A_205 = arith.constant 0 : i32
    %dma_start3A_206 = tpu.memref_slice %arg9[%dma_start3A_194, %dma_start3A_205] : memref<2x2048xf32, #tpu.memory_space<vmem>> -> memref<1x2048xf32, #tpu.memory_space<vmem>>
    %dma_start3A_207 = tpu.memref_squeeze %dma_start3A_206 : memref<1x2048xf32, #tpu.memory_space<vmem>> -> memref<2048xf32, #tpu.memory_space<vmem>>
    tpu.enqueue_dma source(%dma_start3A_207 : memref<2048xf32, #tpu.memory_space<vmem>>) target(%dma_start3A_204 : memref<2048xf32, #tpu.memory_space<hbm>>) target_semaphore(%arg12 : memref<!tpu.dma_semaphore, #tpu.memory_space<semaphore_mem>>)
    %add3A_208 = arith.constant 0 : i32
    %add3A_209 = arith.addi %mul3A_2, %add3A_208 : i32
    %add3A_210 = arith.constant 1 : i32
    %add3A_211 = arith.addi %add3A_209, %add3A_210 : i32
    "tpu.region"() ({
      %run_scoped3A = tpu.sem_alloc : memref<!tpu.dma_semaphore, #tpu.memory_space<semaphore_mem>>
      %dma_start3A_372 = arith.constant 0 : i32
      %dma_start3A_373 = tpu.memref_slice %arg3[%add3A_211, %dma_start3A_372] : memref<64x100000xf32, #tpu.memory_space<hbm>> -> memref<1x100000xf32, #tpu.memory_space<hbm>>
      %dma_start3A_374 = tpu.memref_squeeze %dma_start3A_373 : memref<1x100000xf32, #tpu.memory_space<hbm>> -> memref<100000xf32, #tpu.memory_space<hbm>>
      %dma_start3A_375 = arith.constant 0 : i32
      %dma_start3A_376 = tpu.memref_slice %arg3[%add3A_211, %dma_start3A_375] : memref<64x100000xf32, #tpu.memory_space<hbm>> -> memref<1x100000xf32, #tpu.memory_space<hbm>>
      %dma_start3A_377 = tpu.memref_squeeze %dma_start3A_376 : memref<1x100000xf32, #tpu.memory_space<hbm>> -> memref<100000xf32, #tpu.memory_space<hbm>>
      tpu.enqueue_dma source(%dma_start3A_377 : memref<100000xf32, #tpu.memory_space<hbm>>) target(%arg6 : memref<100000xf32, #tpu.memory_space<vmem>>) target_semaphore(%run_scoped3A : memref<!tpu.dma_semaphore, #tpu.memory_space<semaphore_mem>>)
      %dma_wait3A_378 = arith.constant 0 : i32
      %dma_wait3A_379 = tpu.memref_slice %arg3[%add3A_211, %dma_wait3A_378] : memref<64x100000xf32, #tpu.memory_space<hbm>> -> memref<1x100000xf32, #tpu.memory_space<hbm>>
      %dma_wait3A_380 = tpu.memref_squeeze %dma_wait3A_379 : memref<1x100000xf32, #tpu.memory_space<hbm>> -> memref<100000xf32, #tpu.memory_space<hbm>>
      %dma_wait3A_381 = arith.constant 0 : i32
      %dma_wait3A_382 = tpu.memref_slice %arg3[%add3A_211, %dma_wait3A_381] : memref<64x100000xf32, #tpu.memory_space<hbm>> -> memref<1x100000xf32, #tpu.memory_space<hbm>>
      %dma_wait3A_383 = tpu.memref_squeeze %dma_wait3A_382 : memref<1x100000xf32, #tpu.memory_space<hbm>> -> memref<100000xf32, #tpu.memory_space<hbm>>
      tpu.wait_dma2 semaphore(%run_scoped3A : memref<!tpu.dma_semaphore, #tpu.memory_space<semaphore_mem>>) src(%dma_wait3A_383 : memref<100000xf32, #tpu.memory_space<hbm>>) dst(%arg6 : memref<100000xf32, #tpu.memory_space<vmem>>)
      tpu.yield
    }) : () -> ()
    %add3A_212 = arith.constant 1 : i32
    %add3A_213 = arith.addi %mul3A_2, %add3A_212 : i32
    %dma_wait3A_214 = arith.constant 0 : i32
    %dma_wait3A_215 = arith.constant 0 : i32
    %dma_wait3A_216 = arith.constant 0 : i32
    %dma_wait3A_217 = arith.constant 0 : i32
    %dma_wait3A_218 = tpu.memref_slice %arg9[%dma_wait3A_214, %dma_wait3A_217] : memref<2x2048xf32, #tpu.memory_space<vmem>> -> memref<1x2048xf32, #tpu.memory_space<vmem>>
    %dma_wait3A_219 = tpu.memref_squeeze %dma_wait3A_218 : memref<1x2048xf32, #tpu.memory_space<vmem>> -> memref<2048xf32, #tpu.memory_space<vmem>>
    %dma_wait3A_220 = arith.constant 0 : i32
    %dma_wait3A_221 = tpu.memref_slice %arg5[%dma_wait3A_215, %dma_wait3A_216, %dma_wait3A_220] : memref<4x64x2048xf32, #tpu.memory_space<hbm>> -> memref<1x1x2048xf32, #tpu.memory_space<hbm>>
    %dma_wait3A_222 = tpu.memref_squeeze %dma_wait3A_221 : memref<1x1x2048xf32, #tpu.memory_space<hbm>> -> memref<2048xf32, #tpu.memory_space<hbm>>
    %dma_wait3A_223 = arith.constant 0 : i32
    %dma_wait3A_224 = tpu.memref_slice %arg5[%dma_wait3A_215, %dma_wait3A_216, %dma_wait3A_223] : memref<4x64x2048xf32, #tpu.memory_space<hbm>> -> memref<1x1x2048xf32, #tpu.memory_space<hbm>>
    %dma_wait3A_225 = tpu.memref_squeeze %dma_wait3A_224 : memref<1x1x2048xf32, #tpu.memory_space<hbm>> -> memref<2048xf32, #tpu.memory_space<hbm>>
    %dma_wait3A_226 = arith.constant 0 : i32
    %dma_wait3A_227 = tpu.memref_slice %arg9[%dma_wait3A_214, %dma_wait3A_226] : memref<2x2048xf32, #tpu.memory_space<vmem>> -> memref<1x2048xf32, #tpu.memory_space<vmem>>
    %dma_wait3A_228 = tpu.memref_squeeze %dma_wait3A_227 : memref<1x2048xf32, #tpu.memory_space<vmem>> -> memref<2048xf32, #tpu.memory_space<vmem>>
    tpu.wait_dma2 semaphore(%arg11 : memref<!tpu.dma_semaphore, #tpu.memory_space<semaphore_mem>>) src(%dma_wait3A_228 : memref<2048xf32, #tpu.memory_space<vmem>>) dst(%dma_wait3A_225 : memref<2048xf32, #tpu.memory_space<hbm>>)
    %parallel_loop3A_229 = arith.constant 0 : i32
    %parallel_loop3A_230 = arith.constant 2048 : i32
    %parallel_loop3A_231 = arith.constant 16 : i32
    scf.for %parallel_loop3A_372 = %parallel_loop3A_229 to %parallel_loop3A_230 step %parallel_loop3A_231  : i32 {
      %parallel_loop3A_373 = arith.constant 0 : i32
      %parallel_loop3A_374 = arith.addi %parallel_loop3A_373, %parallel_loop3A_372 : i32
      %parallel_loop3A_375 = arith.index_cast %parallel_loop3A_374 : i32 to index
      %parallel_loop3A_376 = tpu.vector_load %arg7[%parallel_loop3A_375] {strides = array<i32>} : memref<8192xi32, #tpu.memory_space<vmem>>, vector<16xi32>,
      %parallel_loop3A_377 = tpu.vector_load_idx %arg6[%parallel_loop3A_376] : memref<100000xf32, #tpu.memory_space<vmem>>[vector<16xi32>], vector<16xf32>,
      %parallel_loop3A_378 = arith.constant 1 : i32
      %parallel_loop3A_379 = arith.index_cast %parallel_loop3A_378 : i32 to index
      %parallel_loop3A_380 = arith.index_cast %parallel_loop3A_372 : i32 to index
      %parallel_loop3A_381 = tpu.vector_load %arg8[%parallel_loop3A_379, %parallel_loop3A_380] {strides = array<i32>} : memref<2x2048xf32, #tpu.memory_space<vmem>>, vector<16xf32>,
      %parallel_loop3A_382 = arith.addf %parallel_loop3A_377, %parallel_loop3A_381 : vector<16xf32>
      %parallel_loop3A_383 = arith.constant 0 : i32
      %parallel_loop3A_384 = arith.index_cast %parallel_loop3A_383 : i32 to index
      %parallel_loop3A_385 = arith.index_cast %parallel_loop3A_372 : i32 to index
      %parallel_loop3A_386 = tpu.vector_load %arg9[%parallel_loop3A_384, %parallel_loop3A_385] {strides = array<i32>} : memref<2x2048xf32, #tpu.memory_space<vmem>>, vector<16xf32>,
      tpu.vector_store %arg9[%parallel_loop3A_384, %parallel_loop3A_385], %parallel_loop3A_382 {strides = array<i32>} : memref<2x2048xf32, #tpu.memory_space<vmem>>, vector<16xf32>,
    } {sc.loop_unroll_factor = 8 : i64, sc.parallel_access}
    %dma_start3A_232 = arith.constant 0 : i32
    %dma_start3A_233 = arith.constant 0 : i32
    %dma_start3A_234 = arith.constant 0 : i32
    %dma_start3A_235 = tpu.memref_slice %arg9[%dma_start3A_232, %dma_start3A_234] : memref<2x2048xf32, #tpu.memory_space<vmem>> -> memref<1x2048xf32, #tpu.memory_space<vmem>>
    %dma_start3A_236 = tpu.memref_squeeze %dma_start3A_235 : memref<1x2048xf32, #tpu.memory_space<vmem>> -> memref<2048xf32, #tpu.memory_space<vmem>>
    %dma_start3A_237 = arith.constant 0 : i32
    %dma_start3A_238 = tpu.memref_slice %arg5[%dma_start3A_233, %add3A_213, %dma_start3A_237] : memref<4x64x2048xf32, #tpu.memory_space<hbm>> -> memref<1x1x2048xf32, #tpu.memory_space<hbm>>
    %dma_start3A_239 = tpu.memref_squeeze %dma_start3A_238 : memref<1x1x2048xf32, #tpu.memory_space<hbm>> -> memref<2048xf32, #tpu.memory_space<hbm>>
    %dma_start3A_240 = arith.constant 0 : i32
    %dma_start3A_241 = tpu.memref_slice %arg5[%dma_start3A_233, %add3A_213, %dma_start3A_240] : memref<4x64x2048xf32, #tpu.memory_space<hbm>> -> memref<1x1x2048xf32, #tpu.memory_space<hbm>>
    %dma_start3A_242 = tpu.memref_squeeze %dma_start3A_241 : memref<1x1x2048xf32, #tpu.memory_space<hbm>> -> memref<2048xf32, #tpu.memory_space<hbm>>
    %dma_start3A_243 = arith.constant 0 : i32
    %dma_start3A_244 = tpu.memref_slice %arg9[%dma_start3A_232, %dma_start3A_243] : memref<2x2048xf32, #tpu.memory_space<vmem>> -> memref<1x2048xf32, #tpu.memory_space<vmem>>
    %dma_start3A_245 = tpu.memref_squeeze %dma_start3A_244 : memref<1x2048xf32, #tpu.memory_space<vmem>> -> memref<2048xf32, #tpu.memory_space<vmem>>
    tpu.enqueue_dma source(%dma_start3A_245 : memref<2048xf32, #tpu.memory_space<vmem>>) target(%dma_start3A_242 : memref<2048xf32, #tpu.memory_space<hbm>>) target_semaphore(%arg11 : memref<!tpu.dma_semaphore, #tpu.memory_space<semaphore_mem>>)
    %dma_wait3A_246 = arith.constant 0 : i32
    %dma_wait3A_247 = arith.constant 0 : i32
    %dma_wait3A_248 = arith.constant 0 : i32
    %dma_wait3A_249 = arith.constant 0 : i32
    %dma_wait3A_250 = tpu.memref_slice %arg9[%dma_wait3A_246, %dma_wait3A_249] : memref<2x2048xf32, #tpu.memory_space<vmem>> -> memref<1x2048xf32, #tpu.memory_space<vmem>>
    %dma_wait3A_251 = tpu.memref_squeeze %dma_wait3A_250 : memref<1x2048xf32, #tpu.memory_space<vmem>> -> memref<2048xf32, #tpu.memory_space<vmem>>
    %dma_wait3A_252 = arith.constant 0 : i32
    %dma_wait3A_253 = tpu.memref_slice %arg5[%dma_wait3A_247, %dma_wait3A_248, %dma_wait3A_252] : memref<4x64x2048xf32, #tpu.memory_space<hbm>> -> memref<1x1x2048xf32, #tpu.memory_space<hbm>>
    %dma_wait3A_254 = tpu.memref_squeeze %dma_wait3A_253 : memref<1x1x2048xf32, #tpu.memory_space<hbm>> -> memref<2048xf32, #tpu.memory_space<hbm>>
    %dma_wait3A_255 = arith.constant 0 : i32
    %dma_wait3A_256 = tpu.memref_slice %arg5[%dma_wait3A_247, %dma_wait3A_248, %dma_wait3A_255] : memref<4x64x2048xf32, #tpu.memory_space<hbm>> -> memref<1x1x2048xf32, #tpu.memory_space<hbm>>
    %dma_wait3A_257 = tpu.memref_squeeze %dma_wait3A_256 : memref<1x1x2048xf32, #tpu.memory_space<hbm>> -> memref<2048xf32, #tpu.memory_space<hbm>>
    %dma_wait3A_258 = arith.constant 0 : i32
    %dma_wait3A_259 = tpu.memref_slice %arg9[%dma_wait3A_246, %dma_wait3A_258] : memref<2x2048xf32, #tpu.memory_space<vmem>> -> memref<1x2048xf32, #tpu.memory_space<vmem>>
    %dma_wait3A_260 = tpu.memref_squeeze %dma_wait3A_259 : memref<1x2048xf32, #tpu.memory_space<vmem>> -> memref<2048xf32, #tpu.memory_space<vmem>>
    tpu.wait_dma2 semaphore(%arg12 : memref<!tpu.dma_semaphore, #tpu.memory_space<semaphore_mem>>) src(%dma_wait3A_260 : memref<2048xf32, #tpu.memory_space<vmem>>) dst(%dma_wait3A_257 : memref<2048xf32, #tpu.memory_space<hbm>>)
    %parallel_loop3A_261 = arith.constant 0 : i32
    %parallel_loop3A_262 = arith.constant 2048 : i32
    %parallel_loop3A_263 = arith.constant 16 : i32
    scf.for %parallel_loop3A_372 = %parallel_loop3A_261 to %parallel_loop3A_262 step %parallel_loop3A_263  : i32 {
      %parallel_loop3A_373 = arith.constant 2048 : i32
      %parallel_loop3A_374 = arith.addi %parallel_loop3A_373, %parallel_loop3A_372 : i32
      %parallel_loop3A_375 = arith.index_cast %parallel_loop3A_374 : i32 to index
      %parallel_loop3A_376 = tpu.vector_load %arg7[%parallel_loop3A_375] {strides = array<i32>} : memref<8192xi32, #tpu.memory_space<vmem>>, vector<16xi32>,
      %parallel_loop3A_377 = tpu.vector_load_idx %arg6[%parallel_loop3A_376] : memref<100000xf32, #tpu.memory_space<vmem>>[vector<16xi32>], vector<16xf32>,
      %parallel_loop3A_378 = arith.constant 1 : i32
      %parallel_loop3A_379 = arith.index_cast %parallel_loop3A_378 : i32 to index
      %parallel_loop3A_380 = arith.index_cast %parallel_loop3A_372 : i32 to index
      %parallel_loop3A_381 = tpu.vector_load %arg8[%parallel_loop3A_379, %parallel_loop3A_380] {strides = array<i32>} : memref<2x2048xf32, #tpu.memory_space<vmem>>, vector<16xf32>,
      %parallel_loop3A_382 = arith.addf %parallel_loop3A_377, %parallel_loop3A_381 : vector<16xf32>
      %parallel_loop3A_383 = arith.constant 1 : i32
      %parallel_loop3A_384 = arith.index_cast %parallel_loop3A_383 : i32 to index
      %parallel_loop3A_385 = arith.index_cast %parallel_loop3A_372 : i32 to index
      %parallel_loop3A_386 = tpu.vector_load %arg9[%parallel_loop3A_384, %parallel_loop3A_385] {strides = array<i32>} : memref<2x2048xf32, #tpu.memory_space<vmem>>, vector<16xf32>,
      tpu.vector_store %arg9[%parallel_loop3A_384, %parallel_loop3A_385], %parallel_loop3A_382 {strides = array<i32>} : memref<2x2048xf32, #tpu.memory_space<vmem>>, vector<16xf32>,
    } {sc.loop_unroll_factor = 8 : i64, sc.parallel_access}
    %dma_start3A_264 = arith.constant 1 : i32
    %dma_start3A_265 = arith.constant 1 : i32
    %dma_start3A_266 = arith.constant 0 : i32
    %dma_start3A_267 = tpu.memref_slice %arg9[%dma_start3A_264, %dma_start3A_266] : memref<2x2048xf32, #tpu.memory_space<vmem>> -> memref<1x2048xf32, #tpu.memory_space<vmem>>
    %dma_start3A_268 = tpu.memref_squeeze %dma_start3A_267 : memref<1x2048xf32, #tpu.memory_space<vmem>> -> memref<2048xf32, #tpu.memory_space<vmem>>
    %dma_start3A_269 = arith.constant 0 : i32
    %dma_start3A_270 = tpu.memref_slice %arg5[%dma_start3A_265, %add3A_213, %dma_start3A_269] : memref<4x64x2048xf32, #tpu.memory_space<hbm>> -> memref<1x1x2048xf32, #tpu.memory_space<hbm>>
    %dma_start3A_271 = tpu.memref_squeeze %dma_start3A_270 : memref<1x1x2048xf32, #tpu.memory_space<hbm>> -> memref<2048xf32, #tpu.memory_space<hbm>>
    %dma_start3A_272 = arith.constant 0 : i32
    %dma_start3A_273 = tpu.memref_slice %arg5[%dma_start3A_265, %add3A_213, %dma_start3A_272] : memref<4x64x2048xf32, #tpu.memory_space<hbm>> -> memref<1x1x2048xf32, #tpu.memory_space<hbm>>
    %dma_start3A_274 = tpu.memref_squeeze %dma_start3A_273 : memref<1x1x2048xf32, #tpu.memory_space<hbm>> -> memref<2048xf32, #tpu.memory_space<hbm>>
    %dma_start3A_275 = arith.constant 0 : i32
    %dma_start3A_276 = tpu.memref_slice %arg9[%dma_start3A_264, %dma_start3A_275] : memref<2x2048xf32, #tpu.memory_space<vmem>> -> memref<1x2048xf32, #tpu.memory_space<vmem>>
    %dma_start3A_277 = tpu.memref_squeeze %dma_start3A_276 : memref<1x2048xf32, #tpu.memory_space<vmem>> -> memref<2048xf32, #tpu.memory_space<vmem>>
    tpu.enqueue_dma source(%dma_start3A_277 : memref<2048xf32, #tpu.memory_space<vmem>>) target(%dma_start3A_274 : memref<2048xf32, #tpu.memory_space<hbm>>) target_semaphore(%arg12 : memref<!tpu.dma_semaphore, #tpu.memory_space<semaphore_mem>>)
    %dma_wait3A_278 = arith.constant 0 : i32
    %dma_wait3A_279 = arith.constant 0 : i32
    %dma_wait3A_280 = arith.constant 0 : i32
    %dma_wait3A_281 = arith.constant 0 : i32
    %dma_wait3A_282 = tpu.memref_slice %arg9[%dma_wait3A_278, %dma_wait3A_281] : memref<2x2048xf32, #tpu.memory_space<vmem>> -> memref<1x2048xf32, #tpu.memory_space<vmem>>
    %dma_wait3A_283 = tpu.memref_squeeze %dma_wait3A_282 : memref<1x2048xf32, #tpu.memory_space<vmem>> -> memref<2048xf32, #tpu.memory_space<vmem>>
    %dma_wait3A_284 = arith.constant 0 : i32
    %dma_wait3A_285 = tpu.memref_slice %arg5[%dma_wait3A_279, %dma_wait3A_280, %dma_wait3A_284] : memref<4x64x2048xf32, #tpu.memory_space<hbm>> -> memref<1x1x2048xf32, #tpu.memory_space<hbm>>
    %dma_wait3A_286 = tpu.memref_squeeze %dma_wait3A_285 : memref<1x1x2048xf32, #tpu.memory_space<hbm>> -> memref<2048xf32, #tpu.memory_space<hbm>>
    %dma_wait3A_287 = arith.constant 0 : i32
    %dma_wait3A_288 = tpu.memref_slice %arg5[%dma_wait3A_279, %dma_wait3A_280, %dma_wait3A_287] : memref<4x64x2048xf32, #tpu.memory_space<hbm>> -> memref<1x1x2048xf32, #tpu.memory_space<hbm>>
    %dma_wait3A_289 = tpu.memref_squeeze %dma_wait3A_288 : memref<1x1x2048xf32, #tpu.memory_space<hbm>> -> memref<2048xf32, #tpu.memory_space<hbm>>
    %dma_wait3A_290 = arith.constant 0 : i32
    %dma_wait3A_291 = tpu.memref_slice %arg9[%dma_wait3A_278, %dma_wait3A_290] : memref<2x2048xf32, #tpu.memory_space<vmem>> -> memref<1x2048xf32, #tpu.memory_space<vmem>>
    %dma_wait3A_292 = tpu.memref_squeeze %dma_wait3A_291 : memref<1x2048xf32, #tpu.memory_space<vmem>> -> memref<2048xf32, #tpu.memory_space<vmem>>
    tpu.wait_dma2 semaphore(%arg11 : memref<!tpu.dma_semaphore, #tpu.memory_space<semaphore_mem>>) src(%dma_wait3A_292 : memref<2048xf32, #tpu.memory_space<vmem>>) dst(%dma_wait3A_289 : memref<2048xf32, #tpu.memory_space<hbm>>)
    %parallel_loop3A_293 = arith.constant 0 : i32
    %parallel_loop3A_294 = arith.constant 2048 : i32
    %parallel_loop3A_295 = arith.constant 16 : i32
    scf.for %parallel_loop3A_372 = %parallel_loop3A_293 to %parallel_loop3A_294 step %parallel_loop3A_295  : i32 {
      %parallel_loop3A_373 = arith.constant 4096 : i32
      %parallel_loop3A_374 = arith.addi %parallel_loop3A_373, %parallel_loop3A_372 : i32
      %parallel_loop3A_375 = arith.index_cast %parallel_loop3A_374 : i32 to index
      %parallel_loop3A_376 = tpu.vector_load %arg7[%parallel_loop3A_375] {strides = array<i32>} : memref<8192xi32, #tpu.memory_space<vmem>>, vector<16xi32>,
      %parallel_loop3A_377 = tpu.vector_load_idx %arg6[%parallel_loop3A_376] : memref<100000xf32, #tpu.memory_space<vmem>>[vector<16xi32>], vector<16xf32>,
      %parallel_loop3A_378 = arith.constant 1 : i32
      %parallel_loop3A_379 = arith.index_cast %parallel_loop3A_378 : i32 to index
      %parallel_loop3A_380 = arith.index_cast %parallel_loop3A_372 : i32 to index
      %parallel_loop3A_381 = tpu.vector_load %arg8[%parallel_loop3A_379, %parallel_loop3A_380] {strides = array<i32>} : memref<2x2048xf32, #tpu.memory_space<vmem>>, vector<16xf32>,
      %parallel_loop3A_382 = arith.addf %parallel_loop3A_377, %parallel_loop3A_381 : vector<16xf32>
      %parallel_loop3A_383 = arith.constant 0 : i32
      %parallel_loop3A_384 = arith.index_cast %parallel_loop3A_383 : i32 to index
      %parallel_loop3A_385 = arith.index_cast %parallel_loop3A_372 : i32 to index
      %parallel_loop3A_386 = tpu.vector_load %arg9[%parallel_loop3A_384, %parallel_loop3A_385] {strides = array<i32>} : memref<2x2048xf32, #tpu.memory_space<vmem>>, vector<16xf32>,
      tpu.vector_store %arg9[%parallel_loop3A_384, %parallel_loop3A_385], %parallel_loop3A_382 {strides = array<i32>} : memref<2x2048xf32, #tpu.memory_space<vmem>>, vector<16xf32>,
    } {sc.loop_unroll_factor = 8 : i64, sc.parallel_access}
    %dma_start3A_296 = arith.constant 0 : i32
    %dma_start3A_297 = arith.constant 2 : i32
    %dma_start3A_298 = arith.constant 0 : i32
    %dma_start3A_299 = tpu.memref_slice %arg9[%dma_start3A_296, %dma_start3A_298] : memref<2x2048xf32, #tpu.memory_space<vmem>> -> memref<1x2048xf32, #tpu.memory_space<vmem>>
    %dma_start3A_300 = tpu.memref_squeeze %dma_start3A_299 : memref<1x2048xf32, #tpu.memory_space<vmem>> -> memref<2048xf32, #tpu.memory_space<vmem>>
    %dma_start3A_301 = arith.constant 0 : i32
    %dma_start3A_302 = tpu.memref_slice %arg5[%dma_start3A_297, %add3A_213, %dma_start3A_301] : memref<4x64x2048xf32, #tpu.memory_space<hbm>> -> memref<1x1x2048xf32, #tpu.memory_space<hbm>>
    %dma_start3A_303 = tpu.memref_squeeze %dma_start3A_302 : memref<1x1x2048xf32, #tpu.memory_space<hbm>> -> memref<2048xf32, #tpu.memory_space<hbm>>
    %dma_start3A_304 = arith.constant 0 : i32
    %dma_start3A_305 = tpu.memref_slice %arg5[%dma_start3A_297, %add3A_213, %dma_start3A_304] : memref<4x64x2048xf32, #tpu.memory_space<hbm>> -> memref<1x1x2048xf32, #tpu.memory_space<hbm>>
    %dma_start3A_306 = tpu.memref_squeeze %dma_start3A_305 : memref<1x1x2048xf32, #tpu.memory_space<hbm>> -> memref<2048xf32, #tpu.memory_space<hbm>>
    %dma_start3A_307 = arith.constant 0 : i32
    %dma_start3A_308 = tpu.memref_slice %arg9[%dma_start3A_296, %dma_start3A_307] : memref<2x2048xf32, #tpu.memory_space<vmem>> -> memref<1x2048xf32, #tpu.memory_space<vmem>>
    %dma_start3A_309 = tpu.memref_squeeze %dma_start3A_308 : memref<1x2048xf32, #tpu.memory_space<vmem>> -> memref<2048xf32, #tpu.memory_space<vmem>>
    tpu.enqueue_dma source(%dma_start3A_309 : memref<2048xf32, #tpu.memory_space<vmem>>) target(%dma_start3A_306 : memref<2048xf32, #tpu.memory_space<hbm>>) target_semaphore(%arg11 : memref<!tpu.dma_semaphore, #tpu.memory_space<semaphore_mem>>)
    %dma_wait3A_310 = arith.constant 0 : i32
    %dma_wait3A_311 = arith.constant 0 : i32
    %dma_wait3A_312 = arith.constant 0 : i32
    %dma_wait3A_313 = arith.constant 0 : i32
    %dma_wait3A_314 = tpu.memref_slice %arg9[%dma_wait3A_310, %dma_wait3A_313] : memref<2x2048xf32, #tpu.memory_space<vmem>> -> memref<1x2048xf32, #tpu.memory_space<vmem>>
    %dma_wait3A_315 = tpu.memref_squeeze %dma_wait3A_314 : memref<1x2048xf32, #tpu.memory_space<vmem>> -> memref<2048xf32, #tpu.memory_space<vmem>>
    %dma_wait3A_316 = arith.constant 0 : i32
    %dma_wait3A_317 = tpu.memref_slice %arg5[%dma_wait3A_311, %dma_wait3A_312, %dma_wait3A_316] : memref<4x64x2048xf32, #tpu.memory_space<hbm>> -> memref<1x1x2048xf32, #tpu.memory_space<hbm>>
    %dma_wait3A_318 = tpu.memref_squeeze %dma_wait3A_317 : memref<1x1x2048xf32, #tpu.memory_space<hbm>> -> memref<2048xf32, #tpu.memory_space<hbm>>
    %dma_wait3A_319 = arith.constant 0 : i32
    %dma_wait3A_320 = tpu.memref_slice %arg5[%dma_wait3A_311, %dma_wait3A_312, %dma_wait3A_319] : memref<4x64x2048xf32, #tpu.memory_space<hbm>> -> memref<1x1x2048xf32, #tpu.memory_space<hbm>>
    %dma_wait3A_321 = tpu.memref_squeeze %dma_wait3A_320 : memref<1x1x2048xf32, #tpu.memory_space<hbm>> -> memref<2048xf32, #tpu.memory_space<hbm>>
    %dma_wait3A_322 = arith.constant 0 : i32
    %dma_wait3A_323 = tpu.memref_slice %arg9[%dma_wait3A_310, %dma_wait3A_322] : memref<2x2048xf32, #tpu.memory_space<vmem>> -> memref<1x2048xf32, #tpu.memory_space<vmem>>
    %dma_wait3A_324 = tpu.memref_squeeze %dma_wait3A_323 : memref<1x2048xf32, #tpu.memory_space<vmem>> -> memref<2048xf32, #tpu.memory_space<vmem>>
    tpu.wait_dma2 semaphore(%arg12 : memref<!tpu.dma_semaphore, #tpu.memory_space<semaphore_mem>>) src(%dma_wait3A_324 : memref<2048xf32, #tpu.memory_space<vmem>>) dst(%dma_wait3A_321 : memref<2048xf32, #tpu.memory_space<hbm>>)
    %parallel_loop3A_325 = arith.constant 0 : i32
    %parallel_loop3A_326 = arith.constant 2048 : i32
    %parallel_loop3A_327 = arith.constant 16 : i32
    scf.for %parallel_loop3A_372 = %parallel_loop3A_325 to %parallel_loop3A_326 step %parallel_loop3A_327  : i32 {
      %parallel_loop3A_373 = arith.constant 6144 : i32
      %parallel_loop3A_374 = arith.addi %parallel_loop3A_373, %parallel_loop3A_372 : i32
      %parallel_loop3A_375 = arith.index_cast %parallel_loop3A_374 : i32 to index
      %parallel_loop3A_376 = tpu.vector_load %arg7[%parallel_loop3A_375] {strides = array<i32>} : memref<8192xi32, #tpu.memory_space<vmem>>, vector<16xi32>,
      %parallel_loop3A_377 = tpu.vector_load_idx %arg6[%parallel_loop3A_376] : memref<100000xf32, #tpu.memory_space<vmem>>[vector<16xi32>], vector<16xf32>,
      %parallel_loop3A_378 = arith.constant 1 : i32
      %parallel_loop3A_379 = arith.index_cast %parallel_loop3A_378 : i32 to index
      %parallel_loop3A_380 = arith.index_cast %parallel_loop3A_372 : i32 to index
      %parallel_loop3A_381 = tpu.vector_load %arg8[%parallel_loop3A_379, %parallel_loop3A_380] {strides = array<i32>} : memref<2x2048xf32, #tpu.memory_space<vmem>>, vector<16xf32>,
      %parallel_loop3A_382 = arith.addf %parallel_loop3A_377, %parallel_loop3A_381 : vector<16xf32>
      %parallel_loop3A_383 = arith.constant 1 : i32
      %parallel_loop3A_384 = arith.index_cast %parallel_loop3A_383 : i32 to index
      %parallel_loop3A_385 = arith.index_cast %parallel_loop3A_372 : i32 to index
      %parallel_loop3A_386 = tpu.vector_load %arg9[%parallel_loop3A_384, %parallel_loop3A_385] {strides = array<i32>} : memref<2x2048xf32, #tpu.memory_space<vmem>>, vector<16xf32>,
      tpu.vector_store %arg9[%parallel_loop3A_384, %parallel_loop3A_385], %parallel_loop3A_382 {strides = array<i32>} : memref<2x2048xf32, #tpu.memory_space<vmem>>, vector<16xf32>,
    } {sc.loop_unroll_factor = 8 : i64, sc.parallel_access}
    %dma_start3A_328 = arith.constant 1 : i32
    %dma_start3A_329 = arith.constant 3 : i32
    %dma_start3A_330 = arith.constant 0 : i32
    %dma_start3A_331 = tpu.memref_slice %arg9[%dma_start3A_328, %dma_start3A_330] : memref<2x2048xf32, #tpu.memory_space<vmem>> -> memref<1x2048xf32, #tpu.memory_space<vmem>>
    %dma_start3A_332 = tpu.memref_squeeze %dma_start3A_331 : memref<1x2048xf32, #tpu.memory_space<vmem>> -> memref<2048xf32, #tpu.memory_space<vmem>>
    %dma_start3A_333 = arith.constant 0 : i32
    %dma_start3A_334 = tpu.memref_slice %arg5[%dma_start3A_329, %add3A_213, %dma_start3A_333] : memref<4x64x2048xf32, #tpu.memory_space<hbm>> -> memref<1x1x2048xf32, #tpu.memory_space<hbm>>
    %dma_start3A_335 = tpu.memref_squeeze %dma_start3A_334 : memref<1x1x2048xf32, #tpu.memory_space<hbm>> -> memref<2048xf32, #tpu.memory_space<hbm>>
    %dma_start3A_336 = arith.constant 0 : i32
    %dma_start3A_337 = tpu.memref_slice %arg5[%dma_start3A_329, %add3A_213, %dma_start3A_336] : memref<4x64x2048xf32, #tpu.memory_space<hbm>> -> memref<1x1x2048xf32, #tpu.memory_space<hbm>>
    %dma_start3A_338 = tpu.memref_squeeze %dma_start3A_337 : memref<1x1x2048xf32, #tpu.memory_space<hbm>> -> memref<2048xf32, #tpu.memory_space<hbm>>
    %dma_start3A_339 = arith.constant 0 : i32
    %dma_start3A_340 = tpu.memref_slice %arg9[%dma_start3A_328, %dma_start3A_339] : memref<2x2048xf32, #tpu.memory_space<vmem>> -> memref<1x2048xf32, #tpu.memory_space<vmem>>
    %dma_start3A_341 = tpu.memref_squeeze %dma_start3A_340 : memref<1x2048xf32, #tpu.memory_space<vmem>> -> memref<2048xf32, #tpu.memory_space<vmem>>
    tpu.enqueue_dma source(%dma_start3A_341 : memref<2048xf32, #tpu.memory_space<vmem>>) target(%dma_start3A_338 : memref<2048xf32, #tpu.memory_space<hbm>>) target_semaphore(%arg12 : memref<!tpu.dma_semaphore, #tpu.memory_space<semaphore_mem>>)
    %dma_wait3A_342 = arith.constant 0 : i32
    %dma_wait3A_343 = arith.constant 0 : i32
    %dma_wait3A_344 = arith.constant 0 : i32
    %dma_wait3A_345 = arith.constant 0 : i32
    %dma_wait3A_346 = tpu.memref_slice %arg9[%dma_wait3A_342, %dma_wait3A_345] : memref<2x2048xf32, #tpu.memory_space<vmem>> -> memref<1x2048xf32, #tpu.memory_space<vmem>>
    %dma_wait3A_347 = tpu.memref_squeeze %dma_wait3A_346 : memref<1x2048xf32, #tpu.memory_space<vmem>> -> memref<2048xf32, #tpu.memory_space<vmem>>
    %dma_wait3A_348 = arith.constant 0 : i32
    %dma_wait3A_349 = tpu.memref_slice %arg5[%dma_wait3A_343, %dma_wait3A_344, %dma_wait3A_348] : memref<4x64x2048xf32, #tpu.memory_space<hbm>> -> memref<1x1x2048xf32, #tpu.memory_space<hbm>>
    %dma_wait3A_350 = tpu.memref_squeeze %dma_wait3A_349 : memref<1x1x2048xf32, #tpu.memory_space<hbm>> -> memref<2048xf32, #tpu.memory_space<hbm>>
    %dma_wait3A_351 = arith.constant 0 : i32
    %dma_wait3A_352 = tpu.memref_slice %arg5[%dma_wait3A_343, %dma_wait3A_344, %dma_wait3A_351] : memref<4x64x2048xf32, #tpu.memory_space<hbm>> -> memref<1x1x2048xf32, #tpu.memory_space<hbm>>
    %dma_wait3A_353 = tpu.memref_squeeze %dma_wait3A_352 : memref<1x1x2048xf32, #tpu.memory_space<hbm>> -> memref<2048xf32, #tpu.memory_space<hbm>>
    %dma_wait3A_354 = arith.constant 0 : i32
    %dma_wait3A_355 = tpu.memref_slice %arg9[%dma_wait3A_342, %dma_wait3A_354] : memref<2x2048xf32, #tpu.memory_space<vmem>> -> memref<1x2048xf32, #tpu.memory_space<vmem>>
    %dma_wait3A_356 = tpu.memref_squeeze %dma_wait3A_355 : memref<1x2048xf32, #tpu.memory_space<vmem>> -> memref<2048xf32, #tpu.memory_space<vmem>>
    tpu.wait_dma2 semaphore(%arg11 : memref<!tpu.dma_semaphore, #tpu.memory_space<semaphore_mem>>) src(%dma_wait3A_356 : memref<2048xf32, #tpu.memory_space<vmem>>) dst(%dma_wait3A_353 : memref<2048xf32, #tpu.memory_space<hbm>>)
    %dma_wait3A_357 = arith.constant 0 : i32
    %dma_wait3A_358 = arith.constant 0 : i32
    %dma_wait3A_359 = arith.constant 0 : i32
    %dma_wait3A_360 = arith.constant 0 : i32
    %dma_wait3A_361 = tpu.memref_slice %arg9[%dma_wait3A_357, %dma_wait3A_360] : memref<2x2048xf32, #tpu.memory_space<vmem>> -> memref<1x2048xf32, #tpu.memory_space<vmem>>
    %dma_wait3A_362 = tpu.memref_squeeze %dma_wait3A_361 : memref<1x2048xf32, #tpu.memory_space<vmem>> -> memref<2048xf32, #tpu.memory_space<vmem>>
    %dma_wait3A_363 = arith.constant 0 : i32
    %dma_wait3A_364 = tpu.memref_slice %arg5[%dma_wait3A_358, %dma_wait3A_359, %dma_wait3A_363] : memref<4x64x2048xf32, #tpu.memory_space<hbm>> -> memref<1x1x2048xf32, #tpu.memory_space<hbm>>
    %dma_wait3A_365 = tpu.memref_squeeze %dma_wait3A_364 : memref<1x1x2048xf32, #tpu.memory_space<hbm>> -> memref<2048xf32, #tpu.memory_space<hbm>>
    %dma_wait3A_366 = arith.constant 0 : i32
    %dma_wait3A_367 = tpu.memref_slice %arg5[%dma_wait3A_358, %dma_wait3A_359, %dma_wait3A_366] : memref<4x64x2048xf32, #tpu.memory_space<hbm>> -> memref<1x1x2048xf32, #tpu.memory_space<hbm>>
    %dma_wait3A_368 = tpu.memref_squeeze %dma_wait3A_367 : memref<1x1x2048xf32, #tpu.memory_space<hbm>> -> memref<2048xf32, #tpu.memory_space<hbm>>
    %dma_wait3A_369 = arith.constant 0 : i32
    %dma_wait3A_370 = tpu.memref_slice %arg9[%dma_wait3A_357, %dma_wait3A_369] : memref<2x2048xf32, #tpu.memory_space<vmem>> -> memref<1x2048xf32, #tpu.memory_space<vmem>>
    %dma_wait3A_371 = tpu.memref_squeeze %dma_wait3A_370 : memref<1x2048xf32, #tpu.memory_space<vmem>> -> memref<2048xf32, #tpu.memory_space<vmem>>
    tpu.wait_dma2 semaphore(%arg12 : memref<!tpu.dma_semaphore, #tpu.memory_space<semaphore_mem>>) src(%dma_wait3A_371 : memref<2048xf32, #tpu.memory_space<vmem>>) dst(%dma_wait3A_368 : memref<2048xf32, #tpu.memory_space<hbm>>)
    return
  }
}

</mosaic_0001>

<sc_bundles>
// kernel: kernel.3.cloned.1.call-start
scs
__scs_entry_jumppad:
0x0: {  	(pc) =	sbr.rel $0x88, $3  }
0x1: {  	(tag) =	ssettag $0x0;
	lr =	simm.s32 $0x1  }
0x2: {  	[smem:$0x3F9E] =	sst lr;
	_ =	strace $0xD0000000  }
0x3: {  	_ = 	snop  }
0x4: {  	_ = 	snop  }
0x5: {  	_ = 	snop  }
0x6: {  	_ = 	snop  }
0x7: {  	_ = 	snop  }
__scs_overlays_trampoline_lowered:
0x8: {  	[smem:$0x3FAD] =	sst s0  }
0x9: {  	[smem:$0x3FAE] =	sst s1  }
0xa: {  	[smem:$0x3FAF] =	sst s2  }
0xb: {  	[smem:$0x3FB0] =	sst s3  }
0xc: {  	[smem:$0x3FB1] =	sst s4  }
0xd: {  	[smem:$0x3FB2] =	sst s5  }
0xe: {  	[smem:$0x3FB3] =	sst s6  }
0xf: {  	[smem:$0x3FB4] =	sst s7  }
0x10: {  	[smem:$0x3FB5] =	sst s8  }
0x11: {  	[smem:$0x3FB6] =	sst s9;
	s0 =	simm.s32 @!p0 $0x0  }
0x12: {  	s1 =	sld [smem:$0x3F9C];
	s0 =	simm.s32 @p0 $0x1  }
0x13: {  	[smem:$0x3FB7] =	sst s0;
	s0 =	simm.s32 @!p1 $0x0  }
0x14: {  	s2 =	sld [smem:$0x3F9B];
	s0 =	simm.s32 @p1 $0x1  }
0x15: {  	[smem:$0x3FB8] =	sst s0;
	s0 =	simm.s32 @!p2 $0x0  }
0x16: {  	s3 =	sld [smem:$0x3FDB];
	s0 =	simm.s32 @p2 $0x1  }
0x17: {  	s4 =	simm.s32 $0x1BF5;
	[smem:$0x3FBA] =	sst s0  }
0x18: {  	s0 =	sld [smem:$0x3F9D];
	_ =	swait.ge [sflag:s4], $0x0  }
0x19: {  	s7 =	sld [smem:$0x3F9E]  }
0x1a: {  	s8 =	sadd.s32 $0xFFFFE003, lr  }
0x1b: {  	s9 =	sadd.s32 $0xFFFFFEF7, lr;
	s5 =	simm.s32 $0xFFFFFFFF;
	p2 =	slt.u32 s8, $0xFFFFF086  }
0x1c: {  	p1 =	slt.u32 s9, $0xF7A;
	s5 =	simm.s32 @!p2 $0x0  }
0x1d: {  	s5 =	simm.s32 @p1 $0x1;
	p0 =	seq.s32 s7, s2  }
0x1e: {  	s7 =	smul.u32 @!p0 $0xF7A, s2;
	p2 =	seq.s32 @!p0 s5, $0x0  }
0x1f: {  	s9 =	smul.u32 $0xF7A, s1;
	s8 =	simm.s32 @!p0 $0x1BF5;
	p2 =	por !p2, p0  }
0x20: {  	[sflag:s8] =	ssyncset.s32 @!p0 $0xFFFFF086;
	s6 =	sadd.s32 @!p0 s3, s7;
	s7 =	simm.s32 @!p0 $0x108  }
0x21: {  	s3 =	sadd.s32 s3, s9;
	s6 =	sadd.s32 @!p0 $0x88, s6;
	s7 =	simm.s32 @p2 $0x1082  }
0x22: {  	[simem:s7], [sflag:s8] =	dma.local @!p0 [hbm:s6], $0xF7A  }
0x23: {  	s9 =	sor.u32 $0xD0000000, s2;
	s6 =	simm.s32 $0x108;
	_ =	swait.ge @!p0 [sflag:s8], $0x0  }
0x24: {  	s3 =	sadd.s32 $0x88, s3;
	s6 =	simm.s32 @!p1 $0x1082;
	[sflag:s4] =	ssyncset.s32 $0xFFFFF086  }
0x25: {  	[simem:s6], [sflag:s4] =	dma.local [hbm:s3], $0xF7A  }
0x26: {  	[smem:$0x3F9E] =	sst s1;
	(tag) =	ssettag s2;
	_ =	strace s9  }
0x27: {  	s1 =	sld [smem:$0x3FAE]  }
0x28: {  	s2 =	sld [smem:$0x3FAF]  }
0x29: {  	s4 =	sld [smem:$0x3FB1]  }
0x2a: {  	p0 =	seq.s32 s5, $0x0;
	s5 =	sld [smem:$0x3FB2]  }
0x2b: {  	s6 =	sld [smem:$0x3FB3]  }
0x2c: {  	s7 =	sld [smem:$0x3FB4]  }
0x2d: {  	s3 =	simm.s32 $0x108;
	s8 =	sld [smem:$0x3FB5]  }
0x2e: {  	s3 =	simm.s32 @!p0 $0x1082;
	s9 =	sld [smem:$0x3FB6]  }
0x2f: {  	lr =	sadd.s32 s0, s3;
	s0 =	sld [smem:$0x3FAD]  }
0x30: {  	s3 =	sld [smem:$0x3FB0]  }
0x31: {  	[smem:$0x3FB9] =	sst s10  }
0x32: {  	s10 =	sld [smem:$0x3FB7];
	_ =	sdelay $0x3  }
0x33: {  	p0 =	seq.s32 s10, $0x1;
	s10 =	sld [smem:$0x3FB9];
	_ =	sdelay $0x3  }
0x34: {  	[smem:$0x3FB9] =	sst s10  }
0x35: {  	s10 =	sld [smem:$0x3FB8];
	_ =	sdelay $0x3  }
0x36: {  	p1 =	seq.s32 s10, $0x1;
	s10 =	sld [smem:$0x3FB9];
	_ =	sdelay $0x3  }
0x37: {  	[smem:$0x3FB9] =	sst s10  }
0x38: {  	s10 =	sld [smem:$0x3FBA]  }
0x39: {  	_ = 	snop;
	(pc) =	sbr.ind lr, $3  }
0x3a: {  	_ = 	snop  }
0x3b: {  	_ = 	snop  }
0x3c: {  	p2 =	seq.s32 s10, $0x1;
	s10 =	sld [smem:$0x3FB9]  }
0x3d: {  	_ =	shalt  }
0x3e: {  	_ =	shalt  }
0x3f: {  	_ =	shalt  }
0x40: {  	_ =	shalt  }
0x41: {  	_ =	shalt  }
0x42: {  	_ =	shalt  }
0x43: {  	_ =	shalt  }
0x44: {  	_ =	shalt  }
0x45: {  	_ =	shalt  }
0x46: {  	_ =	shalt  }
0x47: {  	_ =	shalt  }
0x48: {  	_ =	shalt  }
0x49: {  	_ =	shalt  }
0x4a: {  	_ =	shalt  }
0x4b: {  	_ =	shalt  }
0x4c: {  	_ =	shalt  }
0x4d: {  	_ =	shalt  }
0x4e: {  	_ =	shalt  }
0x4f: {  	_ =	shalt  }
0x50: {  	_ =	shalt  }
0x51: {  	_ =	shalt  }
0x52: {  	_ =	shalt  }
0x53: {  	_ =	shalt  }
0x54: {  	_ =	shalt  }
0x55: {  	_ =	shalt  }
0x56: {  	_ =	shalt  }
0x57: {  	_ =	shalt  }
0x58: {  	_ =	shalt  }
0x59: {  	_ =	shalt  }
0x5a: {  	_ =	shalt  }
0x5b: {  	_ =	shalt  }
0x5c: {  	_ =	shalt  }
0x5d: {  	_ =	shalt  }
0x5e: {  	_ =	shalt  }
0x5f: {  	_ =	shalt  }
0x60: {  	_ =	shalt  }
0x61: {  	_ =	shalt  }
0x62: {  	_ =	shalt  }
0x63: {  	_ =	shalt  }
0x64: {  	_ =	shalt  }
0x65: {  	_ =	shalt  }
0x66: {  	_ =	shalt  }
0x67: {  	_ =	shalt  }
0x68: {  	_ =	shalt  }
0x69: {  	_ =	shalt  }
0x6a: {  	_ =	shalt  }
0x6b: {  	_ =	shalt  }
0x6c: {  	_ =	shalt  }
0x6d: {  	_ =	shalt  }
0x6e: {  	_ =	shalt  }
0x6f: {  	_ =	shalt  }
0x70: {  	_ =	shalt  }
0x71: {  	_ =	shalt  }
0x72: {  	_ =	shalt  }
0x73: {  	_ =	shalt  }
0x74: {  	_ =	shalt  }
0x75: {  	_ =	shalt  }
0x76: {  	_ =	shalt  }
0x77: {  	_ =	shalt  }
0x78: {  	_ =	shalt  }
0x79: {  	_ =	shalt  }
0x7a: {  	_ =	shalt  }
0x7b: {  	_ =	shalt  }
0x7c: {  	_ =	shalt  }
0x7d: {  	_ =	shalt  }
0x7e: {  	_ =	shalt  }
0x7f: {  	_ =	shalt  }
0x80: {  	_ =	shalt  }
0x81: {  	_ =	shalt  }
0x82: {  	_ =	shalt  }
0x83: {  	_ =	shalt  }
0x84: {  	_ =	shalt  }
0x85: {  	_ =	shalt  }
0x86: {  	_ =	shalt  }
0x87: {  	_ =	shalt  }
.Lfunc_end0:
.L_simem_size_0:
called_computation_lowered:
.L_overlay_start_0:
0x88: {  	s2 =	sld [smem:$0x3FD9]  }
0x89: {  	s3 =	sld [smem:$0x3FFE];
	_ =	sdelay $0x1  }
0x8a: {  	s1 =	srdreg.scid  }
0x8b: {  	s0 =	sand.u32 $0x1, s1  }
0x8c: {  	s18 =	sshll.u32 s0, $0xA;
	s2 =	sadd.s32 s3, s2  }
0x8d: {  	s2 =	sadd.s32 s2, s18  }
0x8e: {  	[smem:$0x3FC5] =	sst s2  }
0x8f: {  	_ = 	snop  }
0x90: {  	s2 =	sld [smem:$0x3FC9]  }
0x91: {  	s19 =	sld [smem:$0x3FC8]  }
0x92: {  	s4 =	sld [smem:$0x3FC7]  }
0x93: {  	s5 =	sld [smem:$0x3FD0];
	(tm) =	ssettm $0x1  }
0x94: {  	s6 =	sld [smem:$0x3FFB];
	_ =	sdelay $0x3  }
0x95: {  	_ =	strace s6  }
0x96: {  	s6 =	sld [smem:$0x3FFC];
	_ =	sdelay $0x3  }
0x97: {  	_ =	strace s6  }
0x98: {  	s6 =	sld [smem:$0x3FFD];
	_ =	sdelay $0x3  }
0x99: {  	_ =	strace s6  }
0x9a: {  	_ =	strace $0x8FFFFFFF  }
0x9b: {  	s20 =	sld [smem:$0x3FDB];
	_ =	sdelay $0x1  }
0x9c: {  	s7 =	simm.s32 $_scs_section_size  }
0x9d: {  	s8 =	simm.s32 $_size__tile_overlayer_lowered;
	s9 =	simm.s32 $_tile_overlayer_lowered  }
0x9e: {  	s23 =	simm.s32 $0x1BFF;
	s22 =	sshll.u32 s9, $0x1;
	s6 =	sadd.s32 s7, s20  }
0x9f: {  	s10 =	simm.s32 $0x0;
	s21 =	sshll.u32 s8, $0x1;
	s8 =	sadd.s32 s22, s6  }
0xa0: {  	[timem:s10], [sflag:s23] =	dma.local [hbm:s8], s21  }
0xa1: {  	_ =	swait.ge [sflag:s23], s21  }
0xa2: {  	s7 =	ssub.s32 $0x0, s21;
	[sflag:s23] =	ssyncset.done $0x0  }
0xa3: {  	[sflag:s23] =	ssyncadd.s32 s7;
	_ =	sdelay $0x1  }
0xa4: {  	s24 =	simm.s32 $0x1B8B  }
0xa5: {  	_ =	swait.ge [sflag:s24], $0x1  }
0xa6: {  	[sflag:s24] =	ssyncset.done $0x0  }
0xa7: {  	s25 =	simm.s32 $0x1B8E;
	[sflag:s24] =	ssyncadd.s32 $0xFFFFFFFF  }
0xa8: {  	s26 =	simm.s32 $execute0_lowered;
	[smem:$0x3FD2] =	sst s25  }
0xa9: {  	s7 =	sshll.u32 s26, $0x1;
	_ =	strace $0x80000046;
	[dreg:$0x1] =	wrdreg $0xFFFFFFFF  }
0xaa: {  	s28 =	simm.s32 $_size_execute0_lowered;
	s6 =	sadd.s32 s6, s7;
	[dreg:$0x0] =	wrdreg $0x0  }
0xab: {  	s7 =	sshll.u32 s28, $0x1;
	[dreg:$0x2] =	wrdreg s6  }
0xac: {  	[dreg:$0x3] =	wrdreg s7  }
0xad: {  	[dreg:$0x4] =	wrdreg $0xC0  }
0xae: {  	_ =	task [dreg:s10], $0x5FFFF  }
0xaf: {  	[dreg:$0x1] =	wrdreg $0xFFFFFFFF  }
0xb0: {  	[dreg:$0x0] =	wrdreg $0x60  }
0xb1: {  	[dreg:$0x2] =	wrdreg s2  }
0xb2: {  	[dreg:$0x3] =	wrdreg s19  }
0xb3: {  	[dreg:$0x4] =	wrdreg s4  }
0xb4: {  	[dreg:$0x5] =	wrdreg s5  }
0xb5: {  	[dreg:$0x6] =	wrdreg $0x9  }
0xb6: {  	_ =	task.clear_ibuf [dreg:s10], $0x7FFFF;
	_ =	strace $0x90000046  }
0xb7: {  	s29 =	simm.s32 $0x9;
	_ =	strace $0x80000048  }
0xb8: {  	_ =	swait.ge [sflag:s29], $0x1  }
0xb9: {  	[sflag:s29] =	ssyncadd.s32 $0xFFFFFFFF  }
0xba: {  	_ =	strace $0x90000048  }
0xbb: {  	_ =	sfence  }
0xbc: {  	s30 =	sld [smem:$0x0];
	_ =	sdelay $0x2  }
0xbd: {  	s31 =	sshll.u32 s1, $0xD;
	s1 =	sshrl.u32 s1, $0x2  }
0xbe: {  	s3 =	sand.u32 $0x4000, s31;
	s1 =	sadd.s32 s1, s30  }
0xbf: {  	s0 =	sor.u32 s3, s0;
	s1 =	sshll.u32 s1, $0x11  }
0xc0: {  	s0 =	sor.u32 s1, s0  }
0xc1: {  	s0 =	sadd.s32 $0x8F2B, s0  }
0xc2: {  	[sflag:s0] =	ssyncadd.remote.s32 $0x1  }
0xc3: {  	_ =	sfence.sel $0xFFFF  }
0xc4: {  	[dreg:$0x0] =	wrdreg $0xFFFFFFFF;
	(pc) =	sbr.abs _section_cstart, $3  }
0xc5: {  	[dreg:$0x1] =	wrdreg $0xFFFFFFFF  }
0xc6: {  	_ =	task.clear_ibuf [dreg:s10], $0x2FFFF;
	_ =	strace $0x9FFFFFFF  }
0xc7: {  	(tm) =	ssettm $0x7FFFFFFF  }
tec
execute0_lowered:
.L_overlay_start_1:
0x0: {  	(tag) =	ssettag $0x1  }
0x1: {  	s10 =	rddreg [dreg:$0x0]  }
0x2: {  	s0 =	rddreg [dreg:$0x1]  }
0x3: {  	s1 =	rddreg [dreg:$0x2]  }
0x4: {  	s2 =	rddreg [dreg:$0x3]  }
0x5: {  	s3 =	srdreg.scid;
	s5 =	stileid.u32  }
0x6: {  	s29 =	simm.s32 $0x4;
	s31 =	simm.s32 $0x1BB80;
	s28 =	simm.s32 $0x1C380  }
0x7: {  	s4 =	sand.u32 $0x1, s3;
	s15 =	sshll.u32 s5, $0x9;
	s5 =	sshrl.u32 s5, $0x1  }
0x8: {  	s16 =	sadd.s32 $0x10, s10;
	s17 =	sadd.s32 $0x20, s10;
	s18 =	sadd.s32 $0x30, s10  }
0x9: {  	s6 =	sshll.u32 s4, $0x8;
	s3 =	sand.u32 $0x200, s15;
	s7 =	smul.u32 $0xC3800, s5  }
0xa: {  	s4 =	ssub.s32 $0x2, s4;
	s5 =	sshll.u32 s5, $0xE;
	s6 =	sor.u32 s6, s3  }
0xb: {  	s3 =	simm.s32 $0x0;
	s9 =	sshrl.u32 s4, $0x1;
	s13 =	sor.u32 $0x20000, s5  }
0xc: {  	s15 =	sor.u32 $0x40000, s5;
	s23 =	sor.u32 $0x60000, s5;
	s8 =	sor.u32 s7, s6  }
0xd: {  	[smem:$0x7FF] =	sst s3;
	s4 =	ssub.s32 s4, s9;
	s19 =	sor.u32 s5, s6  }
0xe: {  	s20 =	sor.u32 s6, s13;
	_ =	strace $0x80000047;
	[dreg:$0x6] =	wrdreg s16  }
0xf: {  	s11 =	sor.u32 s6, s15;
	s24 =	sor.u32 $0x80, s6;
	[dreg:$0x7] =	wrdreg s17  }
0x10: {  	s6 =	sor.u32 s6, s23;
	s8 =	sshrl.u32 s8, $0x3;
	[dreg:$0x8] =	wrdreg s18  }
0x11: {  	s21 =	sshrl.u32 s20, $0x3;
	s22 =	sshrl.u32 s11, $0x3;
	s7 =	sor.u32 s7, s24  }
0x12: {  	s5 =	sor.u32 s5, s24;
	s6 =	sshrl.u32 s6, $0x3;
	s25 =	sor.u32 s13, s24  }
0x13: {  	s26 =	sor.u32 s15, s24;
	s30 =	smax.u32 s4, $0x1;
	s4 =	simm.s32 $0x1C580  }
0x14: {  	s8 =	sadd.s32 s0, s8;
	s10 =	sadd.s32 s2, s21;
	s11 =	sadd.s32 s2, s22  }
0x15: {  	s7 =	sshrl.u32 s7, $0x3;
	s5 =	sshrl.u32 s5, $0x3;
	s12 =	sadd.s32 s2, s6  }
0x16: {  	[dreg:$0xb] =	wrdreg s30;
	s21 =	simm.s32 $0x1BA80;
	s22 =	simm.s32 $0x1BE80  }
0x17: {  	s6 =	simm.s32 $0x2;
	[dreg:$0x5] =	wrdreg s8;
	s8 =	sshrl.u32 s19, $0x3  }
0x18: {  	s0 =	sadd.s32 s0, s7;
	s14 =	sadd.s32 s2, s5;
	s5 =	sshrl.u32 s26, $0x3  }
0x19: {  	s19 =	simm.s32 $0x80;
	s26 =	simm.s32 $0x1C280;
	s7 =	simm.s32 $0x3  }
0x1a: {  	s1 =	sadd.s32 s1, s8;
	s9 =	sadd.s32 s2, s8;
	[dreg:$0xa] =	wrdreg s0  }
0x1b: {  	s0 =	sshrl.u32 s25, $0x3;
	s16 =	sadd.s32 s2, s5;
	s25 =	simm.s32 $0x1C180  }
0x1c: {  	s5 =	simm.s32 $0x1C680;
	s8 =	simm.s32 $0x0;
	[dreg:$0x9] =	wrdreg s1  }
0x1d: {  	s1 =	sor.u32 s23, s24;
	s15 =	sadd.s32 s2, s0;
	s23 =	simm.s32 $0x1BF80  }
0x1e: {  	s24 =	simm.s32 $0x1C080;
	s0 =	simm.s32 $0x1C480;
	s1 =	sshrl.u32 s1, $0x3  }
0x1f: {  	s17 =	sadd.s32 s2, s1;
	s2 =	simm.s32 $0x1BC80;
	s1 =	simm.s32 $0x1BD80  }
.LBB2_1:
0x20: {  	s13 =	rddreg [dreg:$0x5];
	s18 =	simm.s32 $0x400  }
0x21: {  	[tilespmem:s3], [sflag:$0x1] =	stream.strided.gather [hbm4b:s13+s19], $0x18700, s18, s19, $0x38;
	[tilespmem:$0x1C700] =	vst v63  }
0x22: {  	s20 =	simm.s32 $0x200;
	s30 =	simm.s32 $0x18700;
	s13 =	rddreg [dreg:$0x0]  }
0x23: {  	[tilespmem:s30], [sflag:$0x4] =	stream.strided.gather [hbm4b:s13+s19], $0x800, s20, s19, $0x38;
	[tilespmem:$0x1C700] =	vst v63  }
0x24: {  	s13 =	rddreg [dreg:$0x6];
	s30 =	simm.s32 $0x18F00  }
0x25: {  	[tilespmem:s30], [sflag:$0x4] =	stream.strided.gather [hbm4b:s13+s19], $0x800, s20, s19, $0x38;
	[tilespmem:$0x1C700] =	vst v63  }
0x26: {  	s13 =	rddreg [dreg:$0x7];
	s30 =	simm.s32 $0x19700  }
0x27: {  	[tilespmem:s30], [sflag:$0x4] =	stream.strided.gather [hbm4b:s13+s19], $0x800, s20, s19, $0x38;
	[tilespmem:$0x1C700] =	vst v63  }
0x28: {  	s13 =	rddreg [dreg:$0x8];
	s30 =	simm.s32 $0x19F00  }
0x29: {  	[tilespmem:s30], [sflag:$0x4] =	stream.strided.gather [hbm4b:s13+s19], $0x800, s20, s19, $0x38;
	[tilespmem:$0x1C700] =	vst v63  }
0x2a: {  	s13 =	rddreg [dreg:$0x9];
	s20 =	simm.s32 $0x100;
	s30 =	simm.s32 $0x1A700  }
0x2b: {  	[tilespmem:s30], [sflag:$0x4] =	stream.strided.gather [hbm4b:s13+s20], $0x1000, s18, s20, $0x38;
	[tilespmem:$0x1C700] =	vst v63  }
0x2c: {  	_ =	swait.ge [sflag:s29], $0x800  }
0x2d: {  	[sflag:s29] =	ssyncset.done $0x0  }
0x2e: {  	[sflag:s29] =	ssyncadd.s32 $0xFFFFF800  }
0x2f: {  	_ =	swait.ge [sflag:s29], $0x800  }
0x30: {  	[sflag:s29] =	ssyncset.done $0x0  }
0x31: {  	[sflag:s29] =	ssyncadd.s32 $0xFFFFF800  }
0x32: {  	_ =	swait.ge [sflag:s29], $0x800  }
0x33: {  	[sflag:s29] =	ssyncset.done $0x0  }
0x34: {  	[sflag:s29] =	ssyncadd.s32 $0xFFFFF800  }
0x35: {  	_ =	swait.ge [sflag:s29], $0x800  }
0x36: {  	[sflag:s29] =	ssyncset.done $0x0  }
0x37: {  	[sflag:s29] =	ssyncadd.s32 $0xFFFFF800  }
0x38: {  	_ =	swait.ge [sflag:s29], $0x1000  }
0x39: {  	[sflag:s29] =	ssyncset.done $0x0  }
0x3a: {  	s18 =	simm.s32 $0x1;
	[sflag:s29] =	ssyncadd.s32 $0xFFFFF000  }
0x3b: {  	_ =	swait.ge [sflag:s18], $0x18700  }
0x3c: {  	[sflag:s18] =	ssyncset.done $0x0  }
0x3d: {  	s20 =	simm.s32 $0x18740;
	[sflag:s18] =	ssyncadd.s32 $0xFFFE7900  }
0x3e: {  	v0 =	vld [tilespmem:s20+$0x30]  }
0x3f: {  	v1 =	vld [tilespmem:s20+$0xFFFFFFD0]  }
0x40: {  	v2 =	vld [tilespmem:s20+$0xFFFFFFE0]  }
0x41: {  	v3 =	vld [tilespmem:s20+$0xFFFFFFF0]  }
0x42: {  	v5 =	vld [tilespmem:s20+$0x0]  }
0x43: {  	v6 =	vld [tilespmem:s20+$0x10]  }
0x44: {  	v7 =	vld [tilespmem:s20+$0x20]  }
0x45: {  	s13 =	simm.s32 $0x1A740;
	v8 =	vld [tilespmem:s20+$0xFFFFFFC0]  }
0x46: {  	v11 =	vld [tilespmem:s13+$0x30]  }
0x47: {  	v14 =	vld [tilespmem:s13+$0xFFFFFFD0]  }
0x48: {  	v9 =	vld [tilespmem:s13+$0xFFFFFFE0]  }
0x49: {  	v10 =	vld.idx.msk [tilespmem:v0+s3+$0x0], $0xffff  }
0x4a: {  	v12 =	vld.idx.msk [tilespmem:v1+s3+$0x0], $0xffff  }
0x4b: {  	v4 =	vld.idx.msk [tilespmem:v2+s3+$0x0], $0xffff  }
0x4c: {  	v3 =	vld.idx.msk [tilespmem:v3+s3+$0x0], $0xffff  }
0x4d: {  	v13 =	vld.idx.msk [tilespmem:v8+s3+$0x0], $0xffff  }
0x4e: {  	v1 =	vld.idx.msk [tilespmem:v7+s3+$0x0], $0xffff  }
0x4f: {  	v7 =	vld [tilespmem:s13+$0xFFFFFFC0]  }
0x50: {  	v2 =	vld.idx.msk [tilespmem:v5+s3+$0x0], $0xffff  }
0x51: {  	v0 =	vld.idx.msk [tilespmem:v6+s3+$0x0], $0xffff  }
0x52: {  	v8 =	vld [tilespmem:s13+$0xFFFFFFF0]  }
0x53: {  	v6 =	vld [tilespmem:s13+$0x0];
	v10 =	vadd.f32 v11, v10  }
0x54: {  	s18 =	simm.s32 $0x1B740;
	v5 =	vld [tilespmem:s13+$0x10];
	v11 =	vadd.f32 v7, v13  }
0x55: {  	s30 =	simm.s32 $0x187C0;
	s20 =	simm.s32 $0x0;
	v7 =	vld [tilespmem:s13+$0x20];
	[tilespmem:s18+$0x30] =	vst v10;
	v10 =	vadd.f32 v14, v12  }
.LBB2_2:
0x56: {  	v12 =	vld [tilespmem:s30+$0x30];
	s20 =	sadd.s32 $0x80, s20;
	[tilespmem:s18+$0xFFFFFFC0] =	vst v11;
	v4 =	vadd.f32 v9, v4  }
0x57: {  	v9 =	vld [tilespmem:s30+$0xFFFFFFD0];
	p0 =	slt.u32 s20, $0x780;
	[tilespmem:s18+$0xFFFFFFD0] =	vst v10;
	v3 =	vadd.f32 v8, v3  }
0x58: {  	v8 =	vld [tilespmem:s30+$0xFFFFFFE0];
	[tilespmem:s18+$0xFFFFFFE0] =	vst v4;
	v2 =	vadd.f32 v6, v2  }
0x59: {  	v6 =	vld [tilespmem:s30+$0xFFFFFFF0];
	[tilespmem:s18+$0xFFFFFFF0] =	vst v3;
	v0 =	vadd.f32 v5, v0  }
0x5a: {  	v5 =	vld [tilespmem:s30+$0x0];
	[tilespmem:s18+$0x0] =	vst v2;
	v1 =	vadd.f32 v7, v1  }
0x5b: {  	v7 =	vld [tilespmem:s30+$0x10];
	[tilespmem:s18+$0x10] =	vst v0  }
0x5c: {  	v10 =	vld [tilespmem:s30+$0x20];
	[tilespmem:s18+$0x20] =	vst v1  }
0x5d: {  	v1 =	vld [tilespmem:s30+$0xFFFFFFC0]  }
0x5e: {  	s13 =	sadd.s32 $0x100, s13;
	v11 =	vld.idx.msk [tilespmem:v12+s3+$0x0], $0xffff  }
0x5f: {  	v12 =	vld [tilespmem:s13+$0x30]  }
0x60: {  	v13 =	vld.idx.msk [tilespmem:v9+s3+$0x0], $0xffff  }
0x61: {  	v4 =	vld.idx.msk [tilespmem:v8+s3+$0x0], $0xffff  }
0x62: {  	v3 =	vld.idx.msk [tilespmem:v6+s3+$0x0], $0xffff  }
0x63: {  	v2 =	vld.idx.msk [tilespmem:v5+s3+$0x0], $0xffff  }
0x64: {  	v0 =	vld.idx.msk [tilespmem:v7+s3+$0x0], $0xffff;
	v5 =	vadd.f32 v12, v11  }
0x65: {  	s18 =	sadd.s32 $0x100, s18;
	v7 =	vld.idx.msk [tilespmem:v1+s3+$0x0], $0xffff  }
0x66: {  	v1 =	vld.idx.msk [tilespmem:v10+s3+$0x0], $0xffff;
	[tilespmem:s18+$0x30] =	vst v5  }
0x67: {  	v5 =	vld [tilespmem:s13+$0xFFFFFFC0]  }
0x68: {  	v10 =	vld [tilespmem:s13+$0xFFFFFFD0]  }
.Ltmp0:
0x69: {  	v9 =	vld [tilespmem:s13+$0xFFFFFFE0];
	(pc) =	sbr.rel @p0 .LBB2_2-.Ltmp0, $4  }
0x6a: {  	v8 =	vld [tilespmem:s13+$0xFFFFFFF0]  }
0x6b: {  	v6 =	vld [tilespmem:s13+$0x0]  }
0x6c: {  	v11 =	vadd.f32 v5, v7;
	v5 =	vld [tilespmem:s13+$0x10]  }
0x6d: {  	s30 =	sadd.s32 $0x80, s30;
	v10 =	vadd.f32 v10, v13;
	v7 =	vld [tilespmem:s13+$0x20]  }
0x6e: {  	[tilespmem:s18+$0xFFFFFFC0] =	vst v11;
	v4 =	vadd.f32 v9, v4  }
0x6f: {  	[tilespmem:s18+$0xFFFFFFD0] =	vst v10;
	v3 =	vadd.f32 v8, v3  }
0x70: {  	[tilespmem:s18+$0xFFFFFFE0] =	vst v4;
	v2 =	vadd.f32 v6, v2  }
0x71: {  	[tilespmem:s18+$0xFFFFFFF0] =	vst v3;
	v0 =	vadd.f32 v5, v0  }
0x72: {  	[tilespmem:s18+$0x0] =	vst v2;
	v1 =	vadd.f32 v7, v1  }
0x73: {  	[tilespmem:s18+$0x10] =	vst v0  }
0x74: {  	s13 =	simm.s32 $0x1B700;
	[tilespmem:s18+$0x20] =	vst v1  }
0x75: {  	[hbm4b:s9+s3] =	stream.linear.scatter [tilespmem:s13], [sflag:$0x2], $0x80, $0x38;
	[tilespmem:$0x1C700] =	vst v63  }
0x76: {  	s20 =	simm.s32 $0x1B800;
	s18 =	sadd.s32 $0x80, s9  }
0x77: {  	[hbm4b:s18+s3] =	stream.linear.scatter [tilespmem:s20], [sflag:$0x2], $0x80, $0x38;
	[tilespmem:$0x1C700] =	vst v63  }
0x78: {  	s18 =	sadd.s32 $0x100, s9;
	s20 =	simm.s32 $0x1B900  }
0x79: {  	[hbm4b:s18+s3] =	stream.linear.scatter [tilespmem:s20], [sflag:$0x2], $0x80, $0x38;
	[tilespmem:$0x1C700] =	vst v63  }
0x7a: {  	s18 =	sadd.s32 $0x180, s9;
	s20 =	simm.s32 $0x1BA00  }
0x7b: {  	[hbm4b:s18+s3] =	stream.linear.scatter [tilespmem:s20], [sflag:$0x2], $0x80, $0x38;
	[tilespmem:$0x1C700] =	vst v63  }
0x7c: {  	s18 =	sadd.s32 $0x200, s9;
	s20 =	simm.s32 $0x1BB00  }
0x7d: {  	[hbm4b:s18+s3] =	stream.linear.scatter [tilespmem:s20], [sflag:$0x2], $0x80, $0x38;
	[tilespmem:$0x1C700] =	vst v63  }
0x7e: {  	s18 =	sadd.s32 $0x280, s9;
	s20 =	simm.s32 $0x1BC00  }
0x7f: {  	[hbm4b:s18+s3] =	stream.linear.scatter [tilespmem:s20], [sflag:$0x2], $0x80, $0x38;
	[tilespmem:$0x1C700] =	vst v63  }
0x80: {  	s18 =	sadd.s32 $0x300, s9;
	s20 =	simm.s32 $0x1BD00  }
0x81: {  	[hbm4b:s18+s3] =	stream.linear.scatter [tilespmem:s20], [sflag:$0x2], $0x80, $0x38;
	[tilespmem:$0x1C700] =	vst v63  }
0x82: {  	s18 =	sadd.s32 $0x380, s9;
	s20 =	simm.s32 $0x1BE00  }
0x83: {  	[hbm4b:s18+s3] =	stream.linear.scatter [tilespmem:s20], [sflag:$0x2], $0x80, $0x38;
	[tilespmem:$0x1C700] =	vst v63  }
0x84: {  	s18 =	sadd.s32 $0x400, s9;
	s20 =	simm.s32 $0x1BF00  }
0x85: {  	[hbm4b:s18+s3] =	stream.linear.scatter [tilespmem:s20], [sflag:$0x2], $0x80, $0x38;
	[tilespmem:$0x1C700] =	vst v63  }
0x86: {  	s18 =	sadd.s32 $0x480, s9;
	s20 =	simm.s32 $0x1C000  }
0x87: {  	[hbm4b:s18+s3] =	stream.linear.scatter [tilespmem:s20], [sflag:$0x2], $0x80, $0x38;
	[tilespmem:$0x1C700] =	vst v63  }
0x88: {  	s18 =	sadd.s32 $0x500, s9;
	s20 =	simm.s32 $0x1C100  }
0x89: {  	[hbm4b:s18+s3] =	stream.linear.scatter [tilespmem:s20], [sflag:$0x2], $0x80, $0x38;
	[tilespmem:$0x1C700] =	vst v63  }
0x8a: {  	s18 =	sadd.s32 $0x580, s9;
	s20 =	simm.s32 $0x1C200  }
0x8b: {  	[hbm4b:s18+s3] =	stream.linear.scatter [tilespmem:s20], [sflag:$0x2], $0x80, $0x38;
	[tilespmem:$0x1C700] =	vst v63  }
0x8c: {  	s18 =	sadd.s32 $0x600, s9;
	s20 =	simm.s32 $0x1C300  }
0x8d: {  	[hbm4b:s18+s3] =	stream.linear.scatter [tilespmem:s20], [sflag:$0x2], $0x80, $0x38;
	[tilespmem:$0x1C700] =	vst v63  }
0x8e: {  	s18 =	sadd.s32 $0x680, s9;
	s20 =	simm.s32 $0x1C400  }
0x8f: {  	[hbm4b:s18+s3] =	stream.linear.scatter [tilespmem:s20], [sflag:$0x2], $0x80, $0x38;
	[tilespmem:$0x1C700] =	vst v63  }
0x90: {  	s18 =	sadd.s32 $0x700, s9;
	s20 =	simm.s32 $0x1C500  }
0x91: {  	[hbm4b:s18+s3] =	stream.linear.scatter [tilespmem:s20], [sflag:$0x2], $0x80, $0x38;
	[tilespmem:$0x1C700] =	vst v63  }
0x92: {  	s18 =	sadd.s32 $0x780, s9;
	s20 =	simm.s32 $0x1C600  }
0x93: {  	[hbm4b:s18+s3] =	stream.linear.scatter [tilespmem:s20], [sflag:$0x2], $0x80, $0x38;
	[tilespmem:$0x1C700] =	vst v63  }
0x94: {  	s20 =	simm.s32 $0x18F70  }
0x95: {  	v0 =	vld [tilespmem:s20+$0x0]  }
0x96: {  	v1 =	vld [tilespmem:s20+$0xFFFFFFA0]  }
0x97: {  	v2 =	vld [tilespmem:s20+$0xFFFFFFB0]  }
0x98: {  	v3 =	vld [tilespmem:s20+$0xFFFFFFC0]  }
0x99: {  	v5 =	vld [tilespmem:s20+$0xFFFFFFD0]  }
0x9a: {  	v6 =	vld [tilespmem:s20+$0xFFFFFFE0]  }
0x9b: {  	v7 =	vld [tilespmem:s20+$0xFFFFFFF0]  }
0x9c: {  	s13 =	simm.s32 $0x1A740;
	v8 =	vld [tilespmem:s20+$0xFFFFFF90]  }
0x9d: {  	v11 =	vld [tilespmem:s13+$0x30]  }
0x9e: {  	v14 =	vld [tilespmem:s13+$0xFFFFFFD0]  }
0x9f: {  	v9 =	vld [tilespmem:s13+$0xFFFFFFE0]  }
0xa0: {  	v10 =	vld.idx.msk [tilespmem:v0+s3+$0x0], $0xffff  }
0xa1: {  	v12 =	vld.idx.msk [tilespmem:v1+s3+$0x0], $0xffff  }
0xa2: {  	v4 =	vld.idx.msk [tilespmem:v2+s3+$0x0], $0xffff  }
0xa3: {  	v3 =	vld.idx.msk [tilespmem:v3+s3+$0x0], $0xffff  }
0xa4: {  	v13 =	vld.idx.msk [tilespmem:v8+s3+$0x0], $0xffff  }
0xa5: {  	v1 =	vld.idx.msk [tilespmem:v7+s3+$0x0], $0xffff  }
0xa6: {  	v7 =	vld [tilespmem:s13+$0xFFFFFFC0]  }
0xa7: {  	v2 =	vld.idx.msk [tilespmem:v5+s3+$0x0], $0xffff  }
0xa8: {  	v0 =	vld.idx.msk [tilespmem:v6+s3+$0x0], $0xffff  }
0xa9: {  	v8 =	vld [tilespmem:s13+$0xFFFFFFF0]  }
0xaa: {  	v6 =	vld [tilespmem:s13+$0x0];
	v10 =	vadd.f32 v11, v10  }
0xab: {  	s18 =	simm.s32 $0x1B7F0;
	v5 =	vld [tilespmem:s13+$0x10];
	v11 =	vadd.f32 v7, v13  }
0xac: {  	s30 =	simm.s32 $0x18FF0;
	s20 =	simm.s32 $0x0;
	v7 =	vld [tilespmem:s13+$0x20];
	[tilespmem:s18+$0x0] =	vst v10;
	v10 =	vadd.f32 v14, v12  }
.LBB2_4:
0xad: {  	v12 =	vld [tilespmem:s30+$0x0];
	s20 =	sadd.s32 $0x80, s20;
	[tilespmem:s18+$0xFFFFFF90] =	vst v11;
	v4 =	vadd.f32 v9, v4  }
0xae: {  	v9 =	vld [tilespmem:s30+$0xFFFFFFA0];
	p0 =	slt.u32 s20, $0x780;
	[tilespmem:s18+$0xFFFFFFA0] =	vst v10;
	v3 =	vadd.f32 v8, v3  }
0xaf: {  	v8 =	vld [tilespmem:s30+$0xFFFFFFB0];
	[tilespmem:s18+$0xFFFFFFB0] =	vst v4;
	v2 =	vadd.f32 v6, v2  }
0xb0: {  	v6 =	vld [tilespmem:s30+$0xFFFFFFC0];
	[tilespmem:s18+$0xFFFFFFC0] =	vst v3;
	v0 =	vadd.f32 v5, v0  }
0xb1: {  	v5 =	vld [tilespmem:s30+$0xFFFFFFD0];
	[tilespmem:s18+$0xFFFFFFD0] =	vst v2;
	v1 =	vadd.f32 v7, v1  }
0xb2: {  	v7 =	vld [tilespmem:s30+$0xFFFFFFE0];
	[tilespmem:s18+$0xFFFFFFE0] =	vst v0  }
0xb3: {  	v10 =	vld [tilespmem:s30+$0xFFFFFFF0];
	[tilespmem:s18+$0xFFFFFFF0] =	vst v1  }
0xb4: {  	v1 =	vld [tilespmem:s30+$0xFFFFFF90]  }
0xb5: {  	s13 =	sadd.s32 $0x100, s13;
	v11 =	vld.idx.msk [tilespmem:v12+s3+$0x0], $0xffff  }
0xb6: {  	v12 =	vld [tilespmem:s13+$0x30]  }
0xb7: {  	v13 =	vld.idx.msk [tilespmem:v9+s3+$0x0], $0xffff  }
0xb8: {  	v4 =	vld.idx.msk [tilespmem:v8+s3+$0x0], $0xffff  }
0xb9: {  	v3 =	vld.idx.msk [tilespmem:v6+s3+$0x0], $0xffff  }
0xba: {  	v2 =	vld.idx.msk [tilespmem:v5+s3+$0x0], $0xffff  }
0xbb: {  	v0 =	vld.idx.msk [tilespmem:v7+s3+$0x0], $0xffff;
	v5 =	vadd.f32 v12, v11  }
0xbc: {  	s18 =	sadd.s32 $0x100, s18;
	v7 =	vld.idx.msk [tilespmem:v1+s3+$0x0], $0xffff  }
0xbd: {  	v1 =	vld.idx.msk [tilespmem:v10+s3+$0x0], $0xffff;
	[tilespmem:s18+$0x0] =	vst v5  }
0xbe: {  	v5 =	vld [tilespmem:s13+$0xFFFFFFC0]  }
0xbf: {  	v10 =	vld [tilespmem:s13+$0xFFFFFFD0]  }
.Ltmp1:
0xc0: {  	v9 =	vld [tilespmem:s13+$0xFFFFFFE0];
	(pc) =	sbr.rel @p0 .LBB2_4-.Ltmp1, $4  }
0xc1: {  	v8 =	vld [tilespmem:s13+$0xFFFFFFF0]  }
0xc2: {  	v6 =	vld [tilespmem:s13+$0x0]  }
0xc3: {  	v11 =	vadd.f32 v5, v7;
	v5 =	vld [tilespmem:s13+$0x10]  }
0xc4: {  	s30 =	sadd.s32 $0x80, s30;
	v10 =	vadd.f32 v10, v13;
	v7 =	vld [tilespmem:s13+$0x20]  }
0xc5: {  	[tilespmem:s18+$0xFFFFFF90] =	vst v11;
	v4 =	vadd.f32 v9, v4  }
0xc6: {  	[tilespmem:s18+$0xFFFFFFA0] =	vst v10;
	v3 =	vadd.f32 v8, v3  }
0xc7: {  	[tilespmem:s18+$0xFFFFFFB0] =	vst v4;
	v2 =	vadd.f32 v6, v2  }
0xc8: {  	[tilespmem:s18+$0xFFFFFFC0] =	vst v3;
	v0 =	vadd.f32 v5, v0  }
0xc9: {  	[tilespmem:s18+$0xFFFFFFD0] =	vst v2;
	v1 =	vadd.f32 v7, v1  }
0xca: {  	[tilespmem:s18+$0xFFFFFFE0] =	vst v0  }
0xcb: {  	s13 =	simm.s32 $0x1B780;
	[tilespmem:s18+$0xFFFFFFF0] =	vst v1  }
0xcc: {  	[hbm4b:s10+s3] =	stream.linear.scatter [tilespmem:s13], [sflag:$0x3], $0x80, $0x38;
	[tilespmem:$0x1C700] =	vst v63  }
0xcd: {  	s20 =	simm.s32 $0x1B880;
	s18 =	sadd.s32 $0x80, s10  }
0xce: {  	[hbm4b:s18+s3] =	stream.linear.scatter [tilespmem:s20], [sflag:$0x3], $0x80, $0x38;
	[tilespmem:$0x1C700] =	vst v63  }
0xcf: {  	s18 =	sadd.s32 $0x100, s10;
	s20 =	simm.s32 $0x1B980  }
0xd0: {  	[hbm4b:s18+s3] =	stream.linear.scatter [tilespmem:s20], [sflag:$0x3], $0x80, $0x38;
	[tilespmem:$0x1C700] =	vst v63  }
0xd1: {  	s18 =	sadd.s32 $0x180, s10  }
0xd2: {  	[hbm4b:s18+s3] =	stream.linear.scatter [tilespmem:s21], [sflag:$0x3], $0x80, $0x38;
	[tilespmem:$0x1C700] =	vst v63  }
0xd3: {  	s20 =	sadd.s32 $0x200, s10  }
0xd4: {  	[hbm4b:s20+s3] =	stream.linear.scatter [tilespmem:s31], [sflag:$0x3], $0x80, $0x38;
	[tilespmem:$0x1C700] =	vst v63  }
0xd5: {  	s18 =	sadd.s32 $0x280, s10  }
0xd6: {  	[hbm4b:s18+s3] =	stream.linear.scatter [tilespmem:s2], [sflag:$0x3], $0x80, $0x38;
	[tilespmem:$0x1C700] =	vst v63  }
0xd7: {  	s20 =	sadd.s32 $0x300, s10  }
0xd8: {  	[hbm4b:s20+s3] =	stream.linear.scatter [tilespmem:s1], [sflag:$0x3], $0x80, $0x38;
	[tilespmem:$0x1C700] =	vst v63  }
0xd9: {  	s18 =	sadd.s32 $0x380, s10  }
0xda: {  	[hbm4b:s18+s3] =	stream.linear.scatter [tilespmem:s22], [sflag:$0x3], $0x80, $0x38;
	[tilespmem:$0x1C700] =	vst v63  }
0xdb: {  	s20 =	sadd.s32 $0x400, s10  }
0xdc: {  	[hbm4b:s20+s3] =	stream.linear.scatter [tilespmem:s23], [sflag:$0x3], $0x80, $0x38;
	[tilespmem:$0x1C700] =	vst v63  }
0xdd: {  	s18 =	sadd.s32 $0x480, s10  }
0xde: {  	[hbm4b:s18+s3] =	stream.linear.scatter [tilespmem:s24], [sflag:$0x3], $0x80, $0x38;
	[tilespmem:$0x1C700] =	vst v63  }
0xdf: {  	s20 =	sadd.s32 $0x500, s10  }
0xe0: {  	[hbm4b:s20+s3] =	stream.linear.scatter [tilespmem:s25], [sflag:$0x3], $0x80, $0x38;
	[tilespmem:$0x1C700] =	vst v63  }
0xe1: {  	s18 =	sadd.s32 $0x580, s10  }
0xe2: {  	[hbm4b:s18+s3] =	stream.linear.scatter [tilespmem:s26], [sflag:$0x3], $0x80, $0x38;
	[tilespmem:$0x1C700] =	vst v63  }
0xe3: {  	s20 =	sadd.s32 $0x600, s10  }
0xe4: {  	[hbm4b:s20+s3] =	stream.linear.scatter [tilespmem:s28], [sflag:$0x3], $0x80, $0x38;
	[tilespmem:$0x1C700] =	vst v63  }
0xe5: {  	s18 =	sadd.s32 $0x680, s10  }
0xe6: {  	[hbm4b:s18+s3] =	stream.linear.scatter [tilespmem:s0], [sflag:$0x3], $0x80, $0x38;
	[tilespmem:$0x1C700] =	vst v63  }
0xe7: {  	s20 =	sadd.s32 $0x700, s10  }
0xe8: {  	[hbm4b:s20+s3] =	stream.linear.scatter [tilespmem:s4], [sflag:$0x3], $0x80, $0x38;
	[tilespmem:$0x1C700] =	vst v63  }
0xe9: {  	s18 =	sadd.s32 $0x780, s10  }
0xea: {  	[hbm4b:s18+s3] =	stream.linear.scatter [tilespmem:s5], [sflag:$0x3], $0x80, $0x38;
	[tilespmem:$0x1C700] =	vst v63  }
0xeb: {  	_ =	swait.ge [sflag:s6], $0x800  }
0xec: {  	[sflag:s6] =	ssyncset.done $0x0  }
0xed: {  	s20 =	simm.s32 $0x19770;
	[sflag:s6] =	ssyncadd.s32 $0xFFFFF800  }
0xee: {  	v0 =	vld [tilespmem:s20+$0x0]  }
0xef: {  	v1 =	vld [tilespmem:s20+$0xFFFFFFA0]  }
0xf0: {  	v2 =	vld [tilespmem:s20+$0xFFFFFFB0]  }
0xf1: {  	v3 =	vld [tilespmem:s20+$0xFFFFFFC0]  }
0xf2: {  	v5 =	vld [tilespmem:s20+$0xFFFFFFD0]  }
0xf3: {  	v6 =	vld [tilespmem:s20+$0xFFFFFFE0]  }
0xf4: {  	v7 =	vld [tilespmem:s20+$0xFFFFFFF0]  }
0xf5: {  	s13 =	simm.s32 $0x1A740;
	v8 =	vld [tilespmem:s20+$0xFFFFFF90]  }
0xf6: {  	v11 =	vld [tilespmem:s13+$0x30]  }
0xf7: {  	v14 =	vld [tilespmem:s13+$0xFFFFFFD0]  }
0xf8: {  	v9 =	vld [tilespmem:s13+$0xFFFFFFE0]  }
0xf9: {  	v10 =	vld.idx.msk [tilespmem:v0+s3+$0x0], $0xffff  }
0xfa: {  	v12 =	vld.idx.msk [tilespmem:v1+s3+$0x0], $0xffff  }
0xfb: {  	v4 =	vld.idx.msk [tilespmem:v2+s3+$0x0], $0xffff  }
0xfc: {  	v3 =	vld.idx.msk [tilespmem:v3+s3+$0x0], $0xffff  }
0xfd: {  	v13 =	vld.idx.msk [tilespmem:v8+s3+$0x0], $0xffff  }
0xfe: {  	v1 =	vld.idx.msk [tilespmem:v7+s3+$0x0], $0xffff  }
0xff: {  	v7 =	vld [tilespmem:s13+$0xFFFFFFC0]  }
0x100: {  	v2 =	vld.idx.msk [tilespmem:v5+s3+$0x0], $0xffff  }
0x101: {  	v0 =	vld.idx.msk [tilespmem:v6+s3+$0x0], $0xffff  }
0x102: {  	v8 =	vld [tilespmem:s13+$0xFFFFFFF0]  }
0x103: {  	v6 =	vld [tilespmem:s13+$0x0];
	v10 =	vadd.f32 v11, v10  }
0x104: {  	s18 =	simm.s32 $0x1B740;
	v5 =	vld [tilespmem:s13+$0x10];
	v11 =	vadd.f32 v7, v13  }
0x105: {  	s30 =	simm.s32 $0x197F0;
	s20 =	simm.s32 $0x0;
	v7 =	vld [tilespmem:s13+$0x20];
	[tilespmem:s18+$0x30] =	vst v10;
	v10 =	vadd.f32 v14, v12  }
.LBB2_6:
0x106: {  	v12 =	vld [tilespmem:s30+$0x0];
	s20 =	sadd.s32 $0x80, s20;
	[tilespmem:s18+$0xFFFFFFC0] =	vst v11;
	v4 =	vadd.f32 v9, v4  }
0x107: {  	v9 =	vld [tilespmem:s30+$0xFFFFFFA0];
	p0 =	slt.u32 s20, $0x780;
	[tilespmem:s18+$0xFFFFFFD0] =	vst v10;
	v3 =	vadd.f32 v8, v3  }
0x108: {  	v8 =	vld [tilespmem:s30+$0xFFFFFFB0];
	[tilespmem:s18+$0xFFFFFFE0] =	vst v4;
	v2 =	vadd.f32 v6, v2  }
0x109: {  	v6 =	vld [tilespmem:s30+$0xFFFFFFC0];
	[tilespmem:s18+$0xFFFFFFF0] =	vst v3;
	v0 =	vadd.f32 v5, v0  }
0x10a: {  	v5 =	vld [tilespmem:s30+$0xFFFFFFD0];
	[tilespmem:s18+$0x0] =	vst v2;
	v1 =	vadd.f32 v7, v1  }
0x10b: {  	v7 =	vld [tilespmem:s30+$0xFFFFFFE0];
	[tilespmem:s18+$0x10] =	vst v0  }
0x10c: {  	v10 =	vld [tilespmem:s30+$0xFFFFFFF0];
	[tilespmem:s18+$0x20] =	vst v1  }
0x10d: {  	v1 =	vld [tilespmem:s30+$0xFFFFFF90]  }
0x10e: {  	s13 =	sadd.s32 $0x100, s13;
	v11 =	vld.idx.msk [tilespmem:v12+s3+$0x0], $0xffff  }
0x10f: {  	v12 =	vld [tilespmem:s13+$0x30]  }
0x110: {  	v13 =	vld.idx.msk [tilespmem:v9+s3+$0x0], $0xffff  }
0x111: {  	v4 =	vld.idx.msk [tilespmem:v8+s3+$0x0], $0xffff  }
0x112: {  	v3 =	vld.idx.msk [tilespmem:v6+s3+$0x0], $0xffff  }
0x113: {  	v2 =	vld.idx.msk [tilespmem:v5+s3+$0x0], $0xffff  }
0x114: {  	v0 =	vld.idx.msk [tilespmem:v7+s3+$0x0], $0xffff;
	v5 =	vadd.f32 v12, v11  }
0x115: {  	s18 =	sadd.s32 $0x100, s18;
	v7 =	vld.idx.msk [tilespmem:v1+s3+$0x0], $0xffff  }
0x116: {  	v1 =	vld.idx.msk [tilespmem:v10+s3+$0x0], $0xffff;
	[tilespmem:s18+$0x30] =	vst v5  }
0x117: {  	v5 =	vld [tilespmem:s13+$0xFFFFFFC0]  }
0x118: {  	v10 =	vld [tilespmem:s13+$0xFFFFFFD0]  }
.Ltmp2:
0x119: {  	v9 =	vld [tilespmem:s13+$0xFFFFFFE0];
	(pc) =	sbr.rel @p0 .LBB2_6-.Ltmp2, $4  }
0x11a: {  	v8 =	vld [tilespmem:s13+$0xFFFFFFF0]  }
0x11b: {  	v6 =	vld [tilespmem:s13+$0x0]  }
0x11c: {  	v11 =	vadd.f32 v5, v7;
	v5 =	vld [tilespmem:s13+$0x10]  }
0x11d: {  	s30 =	sadd.s32 $0x80, s30;
	v10 =	vadd.f32 v10, v13;
	v7 =	vld [tilespmem:s13+$0x20]  }
0x11e: {  	[tilespmem:s18+$0xFFFFFFC0] =	vst v11;
	v4 =	vadd.f32 v9, v4  }
0x11f: {  	[tilespmem:s18+$0xFFFFFFD0] =	vst v10;
	v3 =	vadd.f32 v8, v3  }
0x120: {  	[tilespmem:s18+$0xFFFFFFE0] =	vst v4;
	v2 =	vadd.f32 v6, v2  }
0x121: {  	[tilespmem:s18+$0xFFFFFFF0] =	vst v3;
	v0 =	vadd.f32 v5, v0  }
0x122: {  	[tilespmem:s18+$0x0] =	vst v2;
	v1 =	vadd.f32 v7, v1  }
0x123: {  	[tilespmem:s18+$0x10] =	vst v0  }
0x124: {  	s13 =	simm.s32 $0x1B700;
	[tilespmem:s18+$0x20] =	vst v1  }
0x125: {  	[hbm4b:s11+s3] =	stream.linear.scatter [tilespmem:s13], [sflag:$0x2], $0x80, $0x38;
	[tilespmem:$0x1C700] =	vst v63  }
0x126: {  	s20 =	simm.s32 $0x1B800;
	s18 =	sadd.s32 $0x80, s11  }
0x127: {  	[hbm4b:s18+s3] =	stream.linear.scatter [tilespmem:s20], [sflag:$0x2], $0x80, $0x38;
	[tilespmem:$0x1C700] =	vst v63  }
0x128: {  	s18 =	sadd.s32 $0x100, s11;
	s20 =	simm.s32 $0x1B900  }
0x129: {  	[hbm4b:s18+s3] =	stream.linear.scatter [tilespmem:s20], [sflag:$0x2], $0x80, $0x38;
	[tilespmem:$0x1C700] =	vst v63  }
0x12a: {  	s18 =	sadd.s32 $0x180, s11;
	s20 =	simm.s32 $0x1BA00  }
0x12b: {  	[hbm4b:s18+s3] =	stream.linear.scatter [tilespmem:s20], [sflag:$0x2], $0x80, $0x38;
	[tilespmem:$0x1C700] =	vst v63  }
0x12c: {  	s18 =	sadd.s32 $0x200, s11;
	s20 =	simm.s32 $0x1BB00  }
0x12d: {  	[hbm4b:s18+s3] =	stream.linear.scatter [tilespmem:s20], [sflag:$0x2], $0x80, $0x38;
	[tilespmem:$0x1C700] =	vst v63  }
0x12e: {  	s18 =	sadd.s32 $0x280, s11;
	s20 =	simm.s32 $0x1BC00  }
0x12f: {  	[hbm4b:s18+s3] =	stream.linear.scatter [tilespmem:s20], [sflag:$0x2], $0x80, $0x38;
	[tilespmem:$0x1C700] =	vst v63  }
0x130: {  	s18 =	sadd.s32 $0x300, s11;
	s20 =	simm.s32 $0x1BD00  }
0x131: {  	[hbm4b:s18+s3] =	stream.linear.scatter [tilespmem:s20], [sflag:$0x2], $0x80, $0x38;
	[tilespmem:$0x1C700] =	vst v63  }
0x132: {  	s18 =	sadd.s32 $0x380, s11;
	s20 =	simm.s32 $0x1BE00  }
0x133: {  	[hbm4b:s18+s3] =	stream.linear.scatter [tilespmem:s20], [sflag:$0x2], $0x80, $0x38;
	[tilespmem:$0x1C700] =	vst v63  }
0x134: {  	s18 =	sadd.s32 $0x400, s11;
	s20 =	simm.s32 $0x1BF00  }
0x135: {  	[hbm4b:s18+s3] =	stream.linear.scatter [tilespmem:s20], [sflag:$0x2], $0x80, $0x38;
	[tilespmem:$0x1C700] =	vst v63  }
0x136: {  	s18 =	sadd.s32 $0x480, s11;
	s20 =	simm.s32 $0x1C000  }
0x137: {  	[hbm4b:s18+s3] =	stream.linear.scatter [tilespmem:s20], [sflag:$0x2], $0x80, $0x38;
	[tilespmem:$0x1C700] =	vst v63  }
0x138: {  	s18 =	sadd.s32 $0x500, s11;
	s20 =	simm.s32 $0x1C100  }
0x139: {  	[hbm4b:s18+s3] =	stream.linear.scatter [tilespmem:s20], [sflag:$0x2], $0x80, $0x38;
	[tilespmem:$0x1C700] =	vst v63  }
0x13a: {  	s18 =	sadd.s32 $0x580, s11;
	s20 =	simm.s32 $0x1C200  }
0x13b: {  	[hbm4b:s18+s3] =	stream.linear.scatter [tilespmem:s20], [sflag:$0x2], $0x80, $0x38;
	[tilespmem:$0x1C700] =	vst v63  }
0x13c: {  	s18 =	sadd.s32 $0x600, s11;
	s20 =	simm.s32 $0x1C300  }
0x13d: {  	[hbm4b:s18+s3] =	stream.linear.scatter [tilespmem:s20], [sflag:$0x2], $0x80, $0x38;
	[tilespmem:$0x1C700] =	vst v63  }
0x13e: {  	s18 =	sadd.s32 $0x680, s11;
	s20 =	simm.s32 $0x1C400  }
0x13f: {  	[hbm4b:s18+s3] =	stream.linear.scatter [tilespmem:s20], [sflag:$0x2], $0x80, $0x38;
	[tilespmem:$0x1C700] =	vst v63  }
0x140: {  	s18 =	sadd.s32 $0x700, s11;
	s20 =	simm.s32 $0x1C500  }
0x141: {  	[hbm4b:s18+s3] =	stream.linear.scatter [tilespmem:s20], [sflag:$0x2], $0x80, $0x38;
	[tilespmem:$0x1C700] =	vst v63  }
0x142: {  	s18 =	sadd.s32 $0x780, s11;
	s20 =	simm.s32 $0x1C600  }
0x143: {  	[hbm4b:s18+s3] =	stream.linear.scatter [tilespmem:s20], [sflag:$0x2], $0x80, $0x38;
	[tilespmem:$0x1C700] =	vst v63  }
0x144: {  	_ =	swait.ge [sflag:s7], $0x800  }
0x145: {  	[sflag:s7] =	ssyncset.done $0x0  }
0x146: {  	s20 =	simm.s32 $0x19F70;
	[sflag:s7] =	ssyncadd.s32 $0xFFFFF800  }
0x147: {  	v0 =	vld [tilespmem:s20+$0x0]  }
0x148: {  	v1 =	vld [tilespmem:s20+$0xFFFFFFA0]  }
0x149: {  	v2 =	vld [tilespmem:s20+$0xFFFFFFB0]  }
0x14a: {  	v3 =	vld [tilespmem:s20+$0xFFFFFFC0]  }
0x14b: {  	v5 =	vld [tilespmem:s20+$0xFFFFFFD0]  }
0x14c: {  	v6 =	vld [tilespmem:s20+$0xFFFFFFE0]  }
0x14d: {  	v7 =	vld [tilespmem:s20+$0xFFFFFFF0]  }
0x14e: {  	s13 =	simm.s32 $0x1A740;
	v8 =	vld [tilespmem:s20+$0xFFFFFF90]  }
0x14f: {  	v11 =	vld [tilespmem:s13+$0x30]  }
0x150: {  	v14 =	vld [tilespmem:s13+$0xFFFFFFD0]  }
0x151: {  	v9 =	vld [tilespmem:s13+$0xFFFFFFE0]  }
0x152: {  	v10 =	vld.idx.msk [tilespmem:v0+s3+$0x0], $0xffff  }
0x153: {  	v12 =	vld.idx.msk [tilespmem:v1+s3+$0x0], $0xffff  }
0x154: {  	v4 =	vld.idx.msk [tilespmem:v2+s3+$0x0], $0xffff  }
0x155: {  	v3 =	vld.idx.msk [tilespmem:v3+s3+$0x0], $0xffff  }
0x156: {  	v13 =	vld.idx.msk [tilespmem:v8+s3+$0x0], $0xffff  }
0x157: {  	v1 =	vld.idx.msk [tilespmem:v7+s3+$0x0], $0xffff  }
0x158: {  	v7 =	vld [tilespmem:s13+$0xFFFFFFC0]  }
0x159: {  	v2 =	vld.idx.msk [tilespmem:v5+s3+$0x0], $0xffff  }
0x15a: {  	v0 =	vld.idx.msk [tilespmem:v6+s3+$0x0], $0xffff  }
0x15b: {  	v8 =	vld [tilespmem:s13+$0xFFFFFFF0]  }
0x15c: {  	v6 =	vld [tilespmem:s13+$0x0];
	v10 =	vadd.f32 v11, v10  }
0x15d: {  	s18 =	simm.s32 $0x1B7F0;
	v5 =	vld [tilespmem:s13+$0x10];
	v11 =	vadd.f32 v7, v13  }
0x15e: {  	s30 =	simm.s32 $0x19FF0;
	s20 =	simm.s32 $0x0;
	v7 =	vld [tilespmem:s13+$0x20];
	[tilespmem:s18+$0x0] =	vst v10;
	v10 =	vadd.f32 v14, v12  }
.LBB2_8:
0x15f: {  	v12 =	vld [tilespmem:s30+$0x0];
	s20 =	sadd.s32 $0x80, s20;
	[tilespmem:s18+$0xFFFFFF90] =	vst v11;
	v4 =	vadd.f32 v9, v4  }
0x160: {  	v9 =	vld [tilespmem:s30+$0xFFFFFFA0];
	p0 =	slt.u32 s20, $0x780;
	[tilespmem:s18+$0xFFFFFFA0] =	vst v10;
	v3 =	vadd.f32 v8, v3  }
0x161: {  	v8 =	vld [tilespmem:s30+$0xFFFFFFB0];
	[tilespmem:s18+$0xFFFFFFB0] =	vst v4;
	v2 =	vadd.f32 v6, v2  }
0x162: {  	v6 =	vld [tilespmem:s30+$0xFFFFFFC0];
	[tilespmem:s18+$0xFFFFFFC0] =	vst v3;
	v0 =	vadd.f32 v5, v0  }
0x163: {  	v5 =	vld [tilespmem:s30+$0xFFFFFFD0];
	[tilespmem:s18+$0xFFFFFFD0] =	vst v2;
	v1 =	vadd.f32 v7, v1  }
0x164: {  	v7 =	vld [tilespmem:s30+$0xFFFFFFE0];
	[tilespmem:s18+$0xFFFFFFE0] =	vst v0  }
0x165: {  	v10 =	vld [tilespmem:s30+$0xFFFFFFF0];
	[tilespmem:s18+$0xFFFFFFF0] =	vst v1  }
0x166: {  	v1 =	vld [tilespmem:s30+$0xFFFFFF90]  }
0x167: {  	s13 =	sadd.s32 $0x100, s13;
	v11 =	vld.idx.msk [tilespmem:v12+s3+$0x0], $0xffff  }
0x168: {  	v12 =	vld [tilespmem:s13+$0x30]  }
0x169: {  	v13 =	vld.idx.msk [tilespmem:v9+s3+$0x0], $0xffff  }
0x16a: {  	v4 =	vld.idx.msk [tilespmem:v8+s3+$0x0], $0xffff  }
0x16b: {  	v3 =	vld.idx.msk [tilespmem:v6+s3+$0x0], $0xffff  }
0x16c: {  	v2 =	vld.idx.msk [tilespmem:v5+s3+$0x0], $0xffff  }
0x16d: {  	v0 =	vld.idx.msk [tilespmem:v7+s3+$0x0], $0xffff;
	v5 =	vadd.f32 v12, v11  }
0x16e: {  	s18 =	sadd.s32 $0x100, s18;
	v7 =	vld.idx.msk [tilespmem:v1+s3+$0x0], $0xffff  }
0x16f: {  	v1 =	vld.idx.msk [tilespmem:v10+s3+$0x0], $0xffff;
	[tilespmem:s18+$0x0] =	vst v5  }
0x170: {  	v5 =	vld [tilespmem:s13+$0xFFFFFFC0]  }
0x171: {  	v10 =	vld [tilespmem:s13+$0xFFFFFFD0]  }
.Ltmp3:
0x172: {  	v9 =	vld [tilespmem:s13+$0xFFFFFFE0];
	(pc) =	sbr.rel @p0 .LBB2_8-.Ltmp3, $4  }
0x173: {  	v8 =	vld [tilespmem:s13+$0xFFFFFFF0]  }
0x174: {  	v6 =	vld [tilespmem:s13+$0x0]  }
0x175: {  	v11 =	vadd.f32 v5, v7;
	v5 =	vld [tilespmem:s13+$0x10]  }
0x176: {  	s30 =	sadd.s32 $0x80, s30;
	v10 =	vadd.f32 v10, v13;
	v7 =	vld [tilespmem:s13+$0x20]  }
0x177: {  	[tilespmem:s18+$0xFFFFFF90] =	vst v11;
	v4 =	vadd.f32 v9, v4  }
0x178: {  	[tilespmem:s18+$0xFFFFFFA0] =	vst v10;
	v3 =	vadd.f32 v8, v3  }
0x179: {  	[tilespmem:s18+$0xFFFFFFB0] =	vst v4;
	v2 =	vadd.f32 v6, v2  }
0x17a: {  	[tilespmem:s18+$0xFFFFFFC0] =	vst v3;
	v0 =	vadd.f32 v5, v0  }
0x17b: {  	[tilespmem:s18+$0xFFFFFFD0] =	vst v2;
	v1 =	vadd.f32 v7, v1  }
0x17c: {  	[tilespmem:s18+$0xFFFFFFE0] =	vst v0  }
0x17d: {  	s13 =	simm.s32 $0x1B780;
	[tilespmem:s18+$0xFFFFFFF0] =	vst v1  }
0x17e: {  	[hbm4b:s12+s3] =	stream.linear.scatter [tilespmem:s13], [sflag:$0x3], $0x80, $0x38;
	[tilespmem:$0x1C700] =	vst v63  }
0x17f: {  	s20 =	simm.s32 $0x1B880;
	s18 =	sadd.s32 $0x80, s12  }
0x180: {  	[hbm4b:s18+s3] =	stream.linear.scatter [tilespmem:s20], [sflag:$0x3], $0x80, $0x38;
	[tilespmem:$0x1C700] =	vst v63  }
0x181: {  	s18 =	sadd.s32 $0x100, s12;
	s20 =	simm.s32 $0x1B980  }
0x182: {  	[hbm4b:s18+s3] =	stream.linear.scatter [tilespmem:s20], [sflag:$0x3], $0x80, $0x38;
	[tilespmem:$0x1C700] =	vst v63  }
0x183: {  	s20 =	sadd.s32 $0x180, s12  }
0x184: {  	[hbm4b:s20+s3] =	stream.linear.scatter [tilespmem:s21], [sflag:$0x3], $0x80, $0x38;
	[tilespmem:$0x1C700] =	vst v63  }
0x185: {  	s18 =	sadd.s32 $0x200, s12  }
0x186: {  	[hbm4b:s18+s3] =	stream.linear.scatter [tilespmem:s31], [sflag:$0x3], $0x80, $0x38;
	[tilespmem:$0x1C700] =	vst v63  }
0x187: {  	s20 =	sadd.s32 $0x280, s12  }
0x188: {  	[hbm4b:s20+s3] =	stream.linear.scatter [tilespmem:s2], [sflag:$0x3], $0x80, $0x38;
	[tilespmem:$0x1C700] =	vst v63  }
0x189: {  	s18 =	sadd.s32 $0x300, s12  }
0x18a: {  	[hbm4b:s18+s3] =	stream.linear.scatter [tilespmem:s1], [sflag:$0x3], $0x80, $0x38;
	[tilespmem:$0x1C700] =	vst v63  }
0x18b: {  	s20 =	sadd.s32 $0x380, s12  }
0x18c: {  	[hbm4b:s20+s3] =	stream.linear.scatter [tilespmem:s22], [sflag:$0x3], $0x80, $0x38;
	[tilespmem:$0x1C700] =	vst v63  }
0x18d: {  	s18 =	sadd.s32 $0x400, s12  }
0x18e: {  	[hbm4b:s18+s3] =	stream.linear.scatter [tilespmem:s23], [sflag:$0x3], $0x80, $0x38;
	[tilespmem:$0x1C700] =	vst v63  }
0x18f: {  	s20 =	sadd.s32 $0x480, s12  }
0x190: {  	[hbm4b:s20+s3] =	stream.linear.scatter [tilespmem:s24], [sflag:$0x3], $0x80, $0x38;
	[tilespmem:$0x1C700] =	vst v63  }
0x191: {  	s18 =	sadd.s32 $0x500, s12  }
0x192: {  	[hbm4b:s18+s3] =	stream.linear.scatter [tilespmem:s25], [sflag:$0x3], $0x80, $0x38;
	[tilespmem:$0x1C700] =	vst v63  }
0x193: {  	s20 =	sadd.s32 $0x580, s12  }
0x194: {  	[hbm4b:s20+s3] =	stream.linear.scatter [tilespmem:s26], [sflag:$0x3], $0x80, $0x38;
	[tilespmem:$0x1C700] =	vst v63  }
0x195: {  	s18 =	sadd.s32 $0x600, s12  }
0x196: {  	[hbm4b:s18+s3] =	stream.linear.scatter [tilespmem:s28], [sflag:$0x3], $0x80, $0x38;
	[tilespmem:$0x1C700] =	vst v63  }
0x197: {  	s20 =	sadd.s32 $0x680, s12  }
0x198: {  	[hbm4b:s20+s3] =	stream.linear.scatter [tilespmem:s0], [sflag:$0x3], $0x80, $0x38;
	[tilespmem:$0x1C700] =	vst v63  }
0x199: {  	s18 =	sadd.s32 $0x700, s12  }
0x19a: {  	[hbm4b:s18+s3] =	stream.linear.scatter [tilespmem:s4], [sflag:$0x3], $0x80, $0x38;
	[tilespmem:$0x1C700] =	vst v63  }
0x19b: {  	s20 =	sadd.s32 $0x780, s12  }
0x19c: {  	[hbm4b:s20+s3] =	stream.linear.scatter [tilespmem:s5], [sflag:$0x3], $0x80, $0x38;
	[tilespmem:$0x1C700] =	vst v63  }
0x19d: {  	s18 =	rddreg [dreg:$0xa];
	s20 =	simm.s32 $0x400  }
0x19e: {  	[tilespmem:s3], [sflag:$0x5] =	stream.strided.gather [hbm4b:s18+s19], $0x18700, s20, s19, $0x38;
	[tilespmem:$0x1C700] =	vst v63  }
0x19f: {  	s18 =	simm.s32 $0x5  }
0x1a0: {  	_ =	swait.ge [sflag:s18], $0x18700  }
0x1a1: {  	[sflag:s18] =	ssyncset.done $0x0  }
0x1a2: {  	[sflag:s18] =	ssyncadd.s32 $0xFFFE7900  }
0x1a3: {  	_ =	swait.ge [sflag:s6], $0x800  }
0x1a4: {  	[sflag:s6] =	ssyncset.done $0x0  }
0x1a5: {  	s20 =	simm.s32 $0x18740;
	[sflag:s6] =	ssyncadd.s32 $0xFFFFF800  }
0x1a6: {  	v0 =	vld [tilespmem:s20+$0x30]  }
0x1a7: {  	v1 =	vld [tilespmem:s20+$0xFFFFFFD0]  }
0x1a8: {  	v2 =	vld [tilespmem:s20+$0xFFFFFFE0]  }
0x1a9: {  	v3 =	vld [tilespmem:s20+$0xFFFFFFF0]  }
0x1aa: {  	v5 =	vld [tilespmem:s20+$0x0]  }
0x1ab: {  	v6 =	vld [tilespmem:s20+$0x10]  }
0x1ac: {  	v7 =	vld [tilespmem:s20+$0x20]  }
0x1ad: {  	s13 =	simm.s32 $0x1A7F0;
	v8 =	vld [tilespmem:s20+$0xFFFFFFC0]  }
0x1ae: {  	v11 =	vld [tilespmem:s13+$0x0]  }
0x1af: {  	v14 =	vld [tilespmem:s13+$0xFFFFFFA0]  }
0x1b0: {  	v9 =	vld [tilespmem:s13+$0xFFFFFFB0]  }
0x1b1: {  	v10 =	vld.idx.msk [tilespmem:v0+s3+$0x0], $0xffff  }
0x1b2: {  	v12 =	vld.idx.msk [tilespmem:v1+s3+$0x0], $0xffff  }
0x1b3: {  	v4 =	vld.idx.msk [tilespmem:v2+s3+$0x0], $0xffff  }
0x1b4: {  	v3 =	vld.idx.msk [tilespmem:v3+s3+$0x0], $0xffff  }
0x1b5: {  	v13 =	vld.idx.msk [tilespmem:v8+s3+$0x0], $0xffff  }
0x1b6: {  	v1 =	vld.idx.msk [tilespmem:v7+s3+$0x0], $0xffff  }
0x1b7: {  	v7 =	vld [tilespmem:s13+$0xFFFFFF90]  }
0x1b8: {  	v2 =	vld.idx.msk [tilespmem:v5+s3+$0x0], $0xffff  }
0x1b9: {  	v0 =	vld.idx.msk [tilespmem:v6+s3+$0x0], $0xffff  }
0x1ba: {  	v8 =	vld [tilespmem:s13+$0xFFFFFFC0]  }
0x1bb: {  	v6 =	vld [tilespmem:s13+$0xFFFFFFD0];
	v10 =	vadd.f32 v11, v10  }
0x1bc: {  	s18 =	simm.s32 $0x1B740;
	v5 =	vld [tilespmem:s13+$0xFFFFFFE0];
	v11 =	vadd.f32 v7, v13  }
0x1bd: {  	s30 =	simm.s32 $0x187C0;
	s20 =	simm.s32 $0x0;
	v7 =	vld [tilespmem:s13+$0xFFFFFFF0];
	[tilespmem:s18+$0x30] =	vst v10;
	v10 =	vadd.f32 v14, v12  }
.LBB2_10:
0x1be: {  	v12 =	vld [tilespmem:s30+$0x30];
	s20 =	sadd.s32 $0x80, s20;
	[tilespmem:s18+$0xFFFFFFC0] =	vst v11;
	v4 =	vadd.f32 v9, v4  }
0x1bf: {  	v9 =	vld [tilespmem:s30+$0xFFFFFFD0];
	p0 =	slt.u32 s20, $0x780;
	[tilespmem:s18+$0xFFFFFFD0] =	vst v10;
	v3 =	vadd.f32 v8, v3  }
0x1c0: {  	v8 =	vld [tilespmem:s30+$0xFFFFFFE0];
	[tilespmem:s18+$0xFFFFFFE0] =	vst v4;
	v2 =	vadd.f32 v6, v2  }
0x1c1: {  	v6 =	vld [tilespmem:s30+$0xFFFFFFF0];
	[tilespmem:s18+$0xFFFFFFF0] =	vst v3;
	v0 =	vadd.f32 v5, v0  }
0x1c2: {  	v5 =	vld [tilespmem:s30+$0x0];
	[tilespmem:s18+$0x0] =	vst v2;
	v1 =	vadd.f32 v7, v1  }
0x1c3: {  	v7 =	vld [tilespmem:s30+$0x10];
	[tilespmem:s18+$0x10] =	vst v0  }
0x1c4: {  	v10 =	vld [tilespmem:s30+$0x20];
	[tilespmem:s18+$0x20] =	vst v1  }
0x1c5: {  	v1 =	vld [tilespmem:s30+$0xFFFFFFC0]  }
0x1c6: {  	s13 =	sadd.s32 $0x100, s13;
	v11 =	vld.idx.msk [tilespmem:v12+s3+$0x0], $0xffff  }
0x1c7: {  	v12 =	vld [tilespmem:s13+$0x0]  }
0x1c8: {  	v13 =	vld.idx.msk [tilespmem:v9+s3+$0x0], $0xffff  }
0x1c9: {  	v4 =	vld.idx.msk [tilespmem:v8+s3+$0x0], $0xffff  }
0x1ca: {  	v3 =	vld.idx.msk [tilespmem:v6+s3+$0x0], $0xffff  }
0x1cb: {  	v2 =	vld.idx.msk [tilespmem:v5+s3+$0x0], $0xffff  }
0x1cc: {  	v0 =	vld.idx.msk [tilespmem:v7+s3+$0x0], $0xffff;
	v5 =	vadd.f32 v12, v11  }
0x1cd: {  	s18 =	sadd.s32 $0x100, s18;
	v7 =	vld.idx.msk [tilespmem:v1+s3+$0x0], $0xffff  }
0x1ce: {  	v1 =	vld.idx.msk [tilespmem:v10+s3+$0x0], $0xffff;
	[tilespmem:s18+$0x30] =	vst v5  }
0x1cf: {  	v5 =	vld [tilespmem:s13+$0xFFFFFF90]  }
0x1d0: {  	v10 =	vld [tilespmem:s13+$0xFFFFFFA0]  }
.Ltmp4:
0x1d1: {  	v9 =	vld [tilespmem:s13+$0xFFFFFFB0];
	(pc) =	sbr.rel @p0 .LBB2_10-.Ltmp4, $4  }
0x1d2: {  	v8 =	vld [tilespmem:s13+$0xFFFFFFC0]  }
0x1d3: {  	v6 =	vld [tilespmem:s13+$0xFFFFFFD0]  }
0x1d4: {  	v11 =	vadd.f32 v5, v7;
	v5 =	vld [tilespmem:s13+$0xFFFFFFE0]  }
0x1d5: {  	s30 =	sadd.s32 $0x80, s30;
	v10 =	vadd.f32 v10, v13;
	v7 =	vld [tilespmem:s13+$0xFFFFFFF0]  }
0x1d6: {  	[tilespmem:s18+$0xFFFFFFC0] =	vst v11;
	v4 =	vadd.f32 v9, v4  }
0x1d7: {  	[tilespmem:s18+$0xFFFFFFD0] =	vst v10;
	v3 =	vadd.f32 v8, v3  }
0x1d8: {  	[tilespmem:s18+$0xFFFFFFE0] =	vst v4;
	v2 =	vadd.f32 v6, v2  }
0x1d9: {  	[tilespmem:s18+$0xFFFFFFF0] =	vst v3;
	v0 =	vadd.f32 v5, v0  }
0x1da: {  	[tilespmem:s18+$0x0] =	vst v2;
	v1 =	vadd.f32 v7, v1  }
0x1db: {  	[tilespmem:s18+$0x10] =	vst v0  }
0x1dc: {  	s13 =	simm.s32 $0x1B700;
	[tilespmem:s18+$0x20] =	vst v1  }
0x1dd: {  	[hbm4b:s14+s3] =	stream.linear.scatter [tilespmem:s13], [sflag:$0x2], $0x80, $0x38;
	[tilespmem:$0x1C700] =	vst v63  }
0x1de: {  	s20 =	simm.s32 $0x1B800;
	s18 =	sadd.s32 $0x80, s14  }
0x1df: {  	[hbm4b:s18+s3] =	stream.linear.scatter [tilespmem:s20], [sflag:$0x2], $0x80, $0x38;
	[tilespmem:$0x1C700] =	vst v63  }
0x1e0: {  	s18 =	sadd.s32 $0x100, s14;
	s20 =	simm.s32 $0x1B900  }
0x1e1: {  	[hbm4b:s18+s3] =	stream.linear.scatter [tilespmem:s20], [sflag:$0x2], $0x80, $0x38;
	[tilespmem:$0x1C700] =	vst v63  }
0x1e2: {  	s18 =	sadd.s32 $0x180, s14;
	s20 =	simm.s32 $0x1BA00  }
0x1e3: {  	[hbm4b:s18+s3] =	stream.linear.scatter [tilespmem:s20], [sflag:$0x2], $0x80, $0x38;
	[tilespmem:$0x1C700] =	vst v63  }
0x1e4: {  	s18 =	sadd.s32 $0x200, s14;
	s20 =	simm.s32 $0x1BB00  }
0x1e5: {  	[hbm4b:s18+s3] =	stream.linear.scatter [tilespmem:s20], [sflag:$0x2], $0x80, $0x38;
	[tilespmem:$0x1C700] =	vst v63  }
0x1e6: {  	s18 =	sadd.s32 $0x280, s14;
	s20 =	simm.s32 $0x1BC00  }
0x1e7: {  	[hbm4b:s18+s3] =	stream.linear.scatter [tilespmem:s20], [sflag:$0x2], $0x80, $0x38;
	[tilespmem:$0x1C700] =	vst v63  }
0x1e8: {  	s18 =	sadd.s32 $0x300, s14;
	s20 =	simm.s32 $0x1BD00  }
0x1e9: {  	[hbm4b:s18+s3] =	stream.linear.scatter [tilespmem:s20], [sflag:$0x2], $0x80, $0x38;
	[tilespmem:$0x1C700] =	vst v63  }
0x1ea: {  	s18 =	sadd.s32 $0x380, s14;
	s20 =	simm.s32 $0x1BE00  }
0x1eb: {  	[hbm4b:s18+s3] =	stream.linear.scatter [tilespmem:s20], [sflag:$0x2], $0x80, $0x38;
	[tilespmem:$0x1C700] =	vst v63  }
0x1ec: {  	s18 =	sadd.s32 $0x400, s14;
	s20 =	simm.s32 $0x1BF00  }
0x1ed: {  	[hbm4b:s18+s3] =	stream.linear.scatter [tilespmem:s20], [sflag:$0x2], $0x80, $0x38;
	[tilespmem:$0x1C700] =	vst v63  }
0x1ee: {  	s18 =	sadd.s32 $0x480, s14;
	s20 =	simm.s32 $0x1C000  }
0x1ef: {  	[hbm4b:s18+s3] =	stream.linear.scatter [tilespmem:s20], [sflag:$0x2], $0x80, $0x38;
	[tilespmem:$0x1C700] =	vst v63  }
0x1f0: {  	s18 =	sadd.s32 $0x500, s14;
	s20 =	simm.s32 $0x1C100  }
0x1f1: {  	[hbm4b:s18+s3] =	stream.linear.scatter [tilespmem:s20], [sflag:$0x2], $0x80, $0x38;
	[tilespmem:$0x1C700] =	vst v63  }
0x1f2: {  	s18 =	sadd.s32 $0x580, s14;
	s20 =	simm.s32 $0x1C200  }
0x1f3: {  	[hbm4b:s18+s3] =	stream.linear.scatter [tilespmem:s20], [sflag:$0x2], $0x80, $0x38;
	[tilespmem:$0x1C700] =	vst v63  }
0x1f4: {  	s18 =	sadd.s32 $0x600, s14;
	s20 =	simm.s32 $0x1C300  }
0x1f5: {  	[hbm4b:s18+s3] =	stream.linear.scatter [tilespmem:s20], [sflag:$0x2], $0x80, $0x38;
	[tilespmem:$0x1C700] =	vst v63  }
0x1f6: {  	s18 =	sadd.s32 $0x680, s14;
	s20 =	simm.s32 $0x1C400  }
0x1f7: {  	[hbm4b:s18+s3] =	stream.linear.scatter [tilespmem:s20], [sflag:$0x2], $0x80, $0x38;
	[tilespmem:$0x1C700] =	vst v63  }
0x1f8: {  	s18 =	sadd.s32 $0x700, s14;
	s20 =	simm.s32 $0x1C500  }
0x1f9: {  	[hbm4b:s18+s3] =	stream.linear.scatter [tilespmem:s20], [sflag:$0x2], $0x80, $0x38;
	[tilespmem:$0x1C700] =	vst v63  }
0x1fa: {  	s18 =	sadd.s32 $0x780, s14;
	s20 =	simm.s32 $0x1C600  }
0x1fb: {  	[hbm4b:s18+s3] =	stream.linear.scatter [tilespmem:s20], [sflag:$0x2], $0x80, $0x38;
	[tilespmem:$0x1C700] =	vst v63  }
0x1fc: {  	_ =	swait.ge [sflag:s7], $0x800  }
0x1fd: {  	[sflag:s7] =	ssyncset.done $0x0  }
0x1fe: {  	s20 =	simm.s32 $0x18F70;
	[sflag:s7] =	ssyncadd.s32 $0xFFFFF800  }
0x1ff: {  	v0 =	vld [tilespmem:s20+$0x0]  }
0x200: {  	v1 =	vld [tilespmem:s20+$0xFFFFFFA0]  }
0x201: {  	v2 =	vld [tilespmem:s20+$0xFFFFFFB0]  }
0x202: {  	v3 =	vld [tilespmem:s20+$0xFFFFFFC0]  }
0x203: {  	v5 =	vld [tilespmem:s20+$0xFFFFFFD0]  }
0x204: {  	v6 =	vld [tilespmem:s20+$0xFFFFFFE0]  }
0x205: {  	v7 =	vld [tilespmem:s20+$0xFFFFFFF0]  }
0x206: {  	s13 =	simm.s32 $0x1A7F0;
	v8 =	vld [tilespmem:s20+$0xFFFFFF90]  }
0x207: {  	v11 =	vld [tilespmem:s13+$0x0]  }
0x208: {  	v14 =	vld [tilespmem:s13+$0xFFFFFFA0]  }
0x209: {  	v9 =	vld [tilespmem:s13+$0xFFFFFFB0]  }
0x20a: {  	v10 =	vld.idx.msk [tilespmem:v0+s3+$0x0], $0xffff  }
0x20b: {  	v12 =	vld.idx.msk [tilespmem:v1+s3+$0x0], $0xffff  }
0x20c: {  	v4 =	vld.idx.msk [tilespmem:v2+s3+$0x0], $0xffff  }
0x20d: {  	v3 =	vld.idx.msk [tilespmem:v3+s3+$0x0], $0xffff  }
0x20e: {  	v13 =	vld.idx.msk [tilespmem:v8+s3+$0x0], $0xffff  }
0x20f: {  	v1 =	vld.idx.msk [tilespmem:v7+s3+$0x0], $0xffff  }
0x210: {  	v7 =	vld [tilespmem:s13+$0xFFFFFF90]  }
0x211: {  	v2 =	vld.idx.msk [tilespmem:v5+s3+$0x0], $0xffff  }
0x212: {  	v0 =	vld.idx.msk [tilespmem:v6+s3+$0x0], $0xffff  }
0x213: {  	v8 =	vld [tilespmem:s13+$0xFFFFFFC0]  }
0x214: {  	v6 =	vld [tilespmem:s13+$0xFFFFFFD0];
	v10 =	vadd.f32 v11, v10  }
0x215: {  	s18 =	simm.s32 $0x1B7F0;
	v5 =	vld [tilespmem:s13+$0xFFFFFFE0];
	v11 =	vadd.f32 v7, v13  }
0x216: {  	s30 =	simm.s32 $0x18FF0;
	s20 =	simm.s32 $0x0;
	v7 =	vld [tilespmem:s13+$0xFFFFFFF0];
	[tilespmem:s18+$0x0] =	vst v10;
	v10 =	vadd.f32 v14, v12  }
.LBB2_12:
0x217: {  	v12 =	vld [tilespmem:s30+$0x0];
	s20 =	sadd.s32 $0x80, s20;
	[tilespmem:s18+$0xFFFFFF90] =	vst v11;
	v4 =	vadd.f32 v9, v4  }
0x218: {  	v9 =	vld [tilespmem:s30+$0xFFFFFFA0];
	p0 =	slt.u32 s20, $0x780;
	[tilespmem:s18+$0xFFFFFFA0] =	vst v10;
	v3 =	vadd.f32 v8, v3  }
0x219: {  	v8 =	vld [tilespmem:s30+$0xFFFFFFB0];
	[tilespmem:s18+$0xFFFFFFB0] =	vst v4;
	v2 =	vadd.f32 v6, v2  }
0x21a: {  	v6 =	vld [tilespmem:s30+$0xFFFFFFC0];
	[tilespmem:s18+$0xFFFFFFC0] =	vst v3;
	v0 =	vadd.f32 v5, v0  }
0x21b: {  	v5 =	vld [tilespmem:s30+$0xFFFFFFD0];
	[tilespmem:s18+$0xFFFFFFD0] =	vst v2;
	v1 =	vadd.f32 v7, v1  }
0x21c: {  	v7 =	vld [tilespmem:s30+$0xFFFFFFE0];
	[tilespmem:s18+$0xFFFFFFE0] =	vst v0  }
0x21d: {  	v10 =	vld [tilespmem:s30+$0xFFFFFFF0];
	[tilespmem:s18+$0xFFFFFFF0] =	vst v1  }
0x21e: {  	v1 =	vld [tilespmem:s30+$0xFFFFFF90]  }
0x21f: {  	s13 =	sadd.s32 $0x100, s13;
	v11 =	vld.idx.msk [tilespmem:v12+s3+$0x0], $0xffff  }
0x220: {  	v12 =	vld [tilespmem:s13+$0x0]  }
0x221: {  	v13 =	vld.idx.msk [tilespmem:v9+s3+$0x0], $0xffff  }
0x222: {  	v4 =	vld.idx.msk [tilespmem:v8+s3+$0x0], $0xffff  }
0x223: {  	v3 =	vld.idx.msk [tilespmem:v6+s3+$0x0], $0xffff  }
0x224: {  	v2 =	vld.idx.msk [tilespmem:v5+s3+$0x0], $0xffff  }
0x225: {  	v0 =	vld.idx.msk [tilespmem:v7+s3+$0x0], $0xffff;
	v5 =	vadd.f32 v12, v11  }
0x226: {  	s18 =	sadd.s32 $0x100, s18;
	v7 =	vld.idx.msk [tilespmem:v1+s3+$0x0], $0xffff  }
0x227: {  	v1 =	vld.idx.msk [tilespmem:v10+s3+$0x0], $0xffff;
	[tilespmem:s18+$0x0] =	vst v5  }
0x228: {  	v5 =	vld [tilespmem:s13+$0xFFFFFF90]  }
0x229: {  	v10 =	vld [tilespmem:s13+$0xFFFFFFA0]  }
.Ltmp5:
0x22a: {  	v9 =	vld [tilespmem:s13+$0xFFFFFFB0];
	(pc) =	sbr.rel @p0 .LBB2_12-.Ltmp5, $4  }
0x22b: {  	v8 =	vld [tilespmem:s13+$0xFFFFFFC0]  }
0x22c: {  	v6 =	vld [tilespmem:s13+$0xFFFFFFD0]  }
0x22d: {  	v11 =	vadd.f32 v5, v7;
	v5 =	vld [tilespmem:s13+$0xFFFFFFE0]  }
0x22e: {  	s30 =	sadd.s32 $0x80, s30;
	v10 =	vadd.f32 v10, v13;
	v7 =	vld [tilespmem:s13+$0xFFFFFFF0]  }
0x22f: {  	[tilespmem:s18+$0xFFFFFF90] =	vst v11;
	v4 =	vadd.f32 v9, v4  }
0x230: {  	[tilespmem:s18+$0xFFFFFFA0] =	vst v10;
	v3 =	vadd.f32 v8, v3  }
0x231: {  	[tilespmem:s18+$0xFFFFFFB0] =	vst v4;
	v2 =	vadd.f32 v6, v2  }
0x232: {  	[tilespmem:s18+$0xFFFFFFC0] =	vst v3;
	v0 =	vadd.f32 v5, v0  }
0x233: {  	[tilespmem:s18+$0xFFFFFFD0] =	vst v2;
	v1 =	vadd.f32 v7, v1  }
0x234: {  	[tilespmem:s18+$0xFFFFFFE0] =	vst v0  }
0x235: {  	s13 =	simm.s32 $0x1B780;
	[tilespmem:s18+$0xFFFFFFF0] =	vst v1  }
0x236: {  	[hbm4b:s15+s3] =	stream.linear.scatter [tilespmem:s13], [sflag:$0x3], $0x80, $0x38;
	[tilespmem:$0x1C700] =	vst v63  }
0x237: {  	s20 =	simm.s32 $0x1B880;
	s18 =	sadd.s32 $0x80, s15  }
0x238: {  	[hbm4b:s18+s3] =	stream.linear.scatter [tilespmem:s20], [sflag:$0x3], $0x80, $0x38;
	[tilespmem:$0x1C700] =	vst v63  }
0x239: {  	s18 =	sadd.s32 $0x100, s15;
	s20 =	simm.s32 $0x1B980  }
0x23a: {  	[hbm4b:s18+s3] =	stream.linear.scatter [tilespmem:s20], [sflag:$0x3], $0x80, $0x38;
	[tilespmem:$0x1C700] =	vst v63  }
0x23b: {  	s18 =	sadd.s32 $0x180, s15  }
0x23c: {  	[hbm4b:s18+s3] =	stream.linear.scatter [tilespmem:s21], [sflag:$0x3], $0x80, $0x38;
	[tilespmem:$0x1C700] =	vst v63  }
0x23d: {  	s20 =	sadd.s32 $0x200, s15  }
0x23e: {  	[hbm4b:s20+s3] =	stream.linear.scatter [tilespmem:s31], [sflag:$0x3], $0x80, $0x38;
	[tilespmem:$0x1C700] =	vst v63  }
0x23f: {  	s18 =	sadd.s32 $0x280, s15  }
0x240: {  	[hbm4b:s18+s3] =	stream.linear.scatter [tilespmem:s2], [sflag:$0x3], $0x80, $0x38;
	[tilespmem:$0x1C700] =	vst v63  }
0x241: {  	s20 =	sadd.s32 $0x300, s15  }
0x242: {  	[hbm4b:s20+s3] =	stream.linear.scatter [tilespmem:s1], [sflag:$0x3], $0x80, $0x38;
	[tilespmem:$0x1C700] =	vst v63  }
0x243: {  	s18 =	sadd.s32 $0x380, s15  }
0x244: {  	[hbm4b:s18+s3] =	stream.linear.scatter [tilespmem:s22], [sflag:$0x3], $0x80, $0x38;
	[tilespmem:$0x1C700] =	vst v63  }
0x245: {  	s20 =	sadd.s32 $0x400, s15  }
0x246: {  	[hbm4b:s20+s3] =	stream.linear.scatter [tilespmem:s23], [sflag:$0x3], $0x80, $0x38;
	[tilespmem:$0x1C700] =	vst v63  }
0x247: {  	s18 =	sadd.s32 $0x480, s15  }
0x248: {  	[hbm4b:s18+s3] =	stream.linear.scatter [tilespmem:s24], [sflag:$0x3], $0x80, $0x38;
	[tilespmem:$0x1C700] =	vst v63  }
0x249: {  	s20 =	sadd.s32 $0x500, s15  }
0x24a: {  	[hbm4b:s20+s3] =	stream.linear.scatter [tilespmem:s25], [sflag:$0x3], $0x80, $0x38;
	[tilespmem:$0x1C700] =	vst v63  }
0x24b: {  	s18 =	sadd.s32 $0x580, s15  }
0x24c: {  	[hbm4b:s18+s3] =	stream.linear.scatter [tilespmem:s26], [sflag:$0x3], $0x80, $0x38;
	[tilespmem:$0x1C700] =	vst v63  }
0x24d: {  	s20 =	sadd.s32 $0x600, s15  }
0x24e: {  	[hbm4b:s20+s3] =	stream.linear.scatter [tilespmem:s28], [sflag:$0x3], $0x80, $0x38;
	[tilespmem:$0x1C700] =	vst v63  }
0x24f: {  	s18 =	sadd.s32 $0x680, s15  }
0x250: {  	[hbm4b:s18+s3] =	stream.linear.scatter [tilespmem:s0], [sflag:$0x3], $0x80, $0x38;
	[tilespmem:$0x1C700] =	vst v63  }
0x251: {  	s20 =	sadd.s32 $0x700, s15  }
0x252: {  	[hbm4b:s20+s3] =	stream.linear.scatter [tilespmem:s4], [sflag:$0x3], $0x80, $0x38;
	[tilespmem:$0x1C700] =	vst v63  }
0x253: {  	s18 =	sadd.s32 $0x780, s15  }
0x254: {  	[hbm4b:s18+s3] =	stream.linear.scatter [tilespmem:s5], [sflag:$0x3], $0x80, $0x38;
	[tilespmem:$0x1C700] =	vst v63  }
0x255: {  	_ =	swait.ge [sflag:s6], $0x800  }
0x256: {  	[sflag:s6] =	ssyncset.done $0x0  }
0x257: {  	s20 =	simm.s32 $0x19770;
	[sflag:s6] =	ssyncadd.s32 $0xFFFFF800  }
0x258: {  	v0 =	vld [tilespmem:s20+$0x0]  }
0x259: {  	v1 =	vld [tilespmem:s20+$0xFFFFFFA0]  }
0x25a: {  	v2 =	vld [tilespmem:s20+$0xFFFFFFB0]  }
0x25b: {  	v3 =	vld [tilespmem:s20+$0xFFFFFFC0]  }
0x25c: {  	v5 =	vld [tilespmem:s20+$0xFFFFFFD0]  }
0x25d: {  	v6 =	vld [tilespmem:s20+$0xFFFFFFE0]  }
0x25e: {  	v7 =	vld [tilespmem:s20+$0xFFFFFFF0]  }
0x25f: {  	s13 =	simm.s32 $0x1A7F0;
	v8 =	vld [tilespmem:s20+$0xFFFFFF90]  }
0x260: {  	v11 =	vld [tilespmem:s13+$0x0]  }
0x261: {  	v14 =	vld [tilespmem:s13+$0xFFFFFFA0]  }
0x262: {  	v9 =	vld [tilespmem:s13+$0xFFFFFFB0]  }
0x263: {  	v10 =	vld.idx.msk [tilespmem:v0+s3+$0x0], $0xffff  }
0x264: {  	v12 =	vld.idx.msk [tilespmem:v1+s3+$0x0], $0xffff  }
0x265: {  	v4 =	vld.idx.msk [tilespmem:v2+s3+$0x0], $0xffff  }
0x266: {  	v3 =	vld.idx.msk [tilespmem:v3+s3+$0x0], $0xffff  }
0x267: {  	v13 =	vld.idx.msk [tilespmem:v8+s3+$0x0], $0xffff  }
0x268: {  	v1 =	vld.idx.msk [tilespmem:v7+s3+$0x0], $0xffff  }
0x269: {  	v7 =	vld [tilespmem:s13+$0xFFFFFF90]  }
0x26a: {  	v2 =	vld.idx.msk [tilespmem:v5+s3+$0x0], $0xffff  }
0x26b: {  	v0 =	vld.idx.msk [tilespmem:v6+s3+$0x0], $0xffff  }
0x26c: {  	v8 =	vld [tilespmem:s13+$0xFFFFFFC0]  }
0x26d: {  	v6 =	vld [tilespmem:s13+$0xFFFFFFD0];
	v10 =	vadd.f32 v11, v10  }
0x26e: {  	s18 =	simm.s32 $0x1B740;
	v5 =	vld [tilespmem:s13+$0xFFFFFFE0];
	v11 =	vadd.f32 v7, v13  }
0x26f: {  	s30 =	simm.s32 $0x197F0;
	s20 =	simm.s32 $0x0;
	v7 =	vld [tilespmem:s13+$0xFFFFFFF0];
	[tilespmem:s18+$0x30] =	vst v10;
	v10 =	vadd.f32 v14, v12  }
.LBB2_14:
0x270: {  	v12 =	vld [tilespmem:s30+$0x0];
	s20 =	sadd.s32 $0x80, s20;
	[tilespmem:s18+$0xFFFFFFC0] =	vst v11;
	v4 =	vadd.f32 v9, v4  }
0x271: {  	v9 =	vld [tilespmem:s30+$0xFFFFFFA0];
	p0 =	slt.u32 s20, $0x780;
	[tilespmem:s18+$0xFFFFFFD0] =	vst v10;
	v3 =	vadd.f32 v8, v3  }
0x272: {  	v8 =	vld [tilespmem:s30+$0xFFFFFFB0];
	[tilespmem:s18+$0xFFFFFFE0] =	vst v4;
	v2 =	vadd.f32 v6, v2  }
0x273: {  	v6 =	vld [tilespmem:s30+$0xFFFFFFC0];
	[tilespmem:s18+$0xFFFFFFF0] =	vst v3;
	v0 =	vadd.f32 v5, v0  }
0x274: {  	v5 =	vld [tilespmem:s30+$0xFFFFFFD0];
	[tilespmem:s18+$0x0] =	vst v2;
	v1 =	vadd.f32 v7, v1  }
0x275: {  	v7 =	vld [tilespmem:s30+$0xFFFFFFE0];
	[tilespmem:s18+$0x10] =	vst v0  }
0x276: {  	v10 =	vld [tilespmem:s30+$0xFFFFFFF0];
	[tilespmem:s18+$0x20] =	vst v1  }
0x277: {  	v1 =	vld [tilespmem:s30+$0xFFFFFF90]  }
0x278: {  	s13 =	sadd.s32 $0x100, s13;
	v11 =	vld.idx.msk [tilespmem:v12+s3+$0x0], $0xffff  }
0x279: {  	v12 =	vld [tilespmem:s13+$0x0]  }
0x27a: {  	v13 =	vld.idx.msk [tilespmem:v9+s3+$0x0], $0xffff  }
0x27b: {  	v4 =	vld.idx.msk [tilespmem:v8+s3+$0x0], $0xffff  }
0x27c: {  	v3 =	vld.idx.msk [tilespmem:v6+s3+$0x0], $0xffff  }
0x27d: {  	v2 =	vld.idx.msk [tilespmem:v5+s3+$0x0], $0xffff  }
0x27e: {  	v0 =	vld.idx.msk [tilespmem:v7+s3+$0x0], $0xffff;
	v5 =	vadd.f32 v12, v11  }
0x27f: {  	s18 =	sadd.s32 $0x100, s18;
	v7 =	vld.idx.msk [tilespmem:v1+s3+$0x0], $0xffff  }
0x280: {  	v1 =	vld.idx.msk [tilespmem:v10+s3+$0x0], $0xffff;
	[tilespmem:s18+$0x30] =	vst v5  }
0x281: {  	v5 =	vld [tilespmem:s13+$0xFFFFFF90]  }
0x282: {  	v10 =	vld [tilespmem:s13+$0xFFFFFFA0]  }
.Ltmp6:
0x283: {  	v9 =	vld [tilespmem:s13+$0xFFFFFFB0];
	(pc) =	sbr.rel @p0 .LBB2_14-.Ltmp6, $4  }
0x284: {  	v8 =	vld [tilespmem:s13+$0xFFFFFFC0]  }
0x285: {  	v6 =	vld [tilespmem:s13+$0xFFFFFFD0]  }
0x286: {  	v11 =	vadd.f32 v5, v7;
	v5 =	vld [tilespmem:s13+$0xFFFFFFE0]  }
0x287: {  	s30 =	sadd.s32 $0x80, s30;
	v10 =	vadd.f32 v10, v13;
	v7 =	vld [tilespmem:s13+$0xFFFFFFF0]  }
0x288: {  	[tilespmem:s18+$0xFFFFFFC0] =	vst v11;
	v4 =	vadd.f32 v9, v4  }
0x289: {  	[tilespmem:s18+$0xFFFFFFD0] =	vst v10;
	v3 =	vadd.f32 v8, v3  }
0x28a: {  	[tilespmem:s18+$0xFFFFFFE0] =	vst v4;
	v2 =	vadd.f32 v6, v2  }
0x28b: {  	[tilespmem:s18+$0xFFFFFFF0] =	vst v3;
	v0 =	vadd.f32 v5, v0  }
0x28c: {  	[tilespmem:s18+$0x0] =	vst v2;
	v1 =	vadd.f32 v7, v1  }
0x28d: {  	[tilespmem:s18+$0x10] =	vst v0  }
0x28e: {  	s13 =	simm.s32 $0x1B700;
	[tilespmem:s18+$0x20] =	vst v1  }
0x28f: {  	[hbm4b:s16+s3] =	stream.linear.scatter [tilespmem:s13], [sflag:$0x2], $0x80, $0x38;
	[tilespmem:$0x1C700] =	vst v63  }
0x290: {  	s20 =	simm.s32 $0x1B800;
	s18 =	sadd.s32 $0x80, s16  }
0x291: {  	[hbm4b:s18+s3] =	stream.linear.scatter [tilespmem:s20], [sflag:$0x2], $0x80, $0x38;
	[tilespmem:$0x1C700] =	vst v63  }
0x292: {  	s18 =	sadd.s32 $0x100, s16;
	s20 =	simm.s32 $0x1B900  }
0x293: {  	[hbm4b:s18+s3] =	stream.linear.scatter [tilespmem:s20], [sflag:$0x2], $0x80, $0x38;
	[tilespmem:$0x1C700] =	vst v63  }
0x294: {  	s18 =	sadd.s32 $0x180, s16;
	s20 =	simm.s32 $0x1BA00  }
0x295: {  	[hbm4b:s18+s3] =	stream.linear.scatter [tilespmem:s20], [sflag:$0x2], $0x80, $0x38;
	[tilespmem:$0x1C700] =	vst v63  }
0x296: {  	s18 =	sadd.s32 $0x200, s16;
	s20 =	simm.s32 $0x1BB00  }
0x297: {  	[hbm4b:s18+s3] =	stream.linear.scatter [tilespmem:s20], [sflag:$0x2], $0x80, $0x38;
	[tilespmem:$0x1C700] =	vst v63  }
0x298: {  	s18 =	sadd.s32 $0x280, s16;
	s20 =	simm.s32 $0x1BC00  }
0x299: {  	[hbm4b:s18+s3] =	stream.linear.scatter [tilespmem:s20], [sflag:$0x2], $0x80, $0x38;
	[tilespmem:$0x1C700] =	vst v63  }
0x29a: {  	s18 =	sadd.s32 $0x300, s16;
	s20 =	simm.s32 $0x1BD00  }
0x29b: {  	[hbm4b:s18+s3] =	stream.linear.scatter [tilespmem:s20], [sflag:$0x2], $0x80, $0x38;
	[tilespmem:$0x1C700] =	vst v63  }
0x29c: {  	s18 =	sadd.s32 $0x380, s16;
	s20 =	simm.s32 $0x1BE00  }
0x29d: {  	[hbm4b:s18+s3] =	stream.linear.scatter [tilespmem:s20], [sflag:$0x2], $0x80, $0x38;
	[tilespmem:$0x1C700] =	vst v63  }
0x29e: {  	s18 =	sadd.s32 $0x400, s16;
	s20 =	simm.s32 $0x1BF00  }
0x29f: {  	[hbm4b:s18+s3] =	stream.linear.scatter [tilespmem:s20], [sflag:$0x2], $0x80, $0x38;
	[tilespmem:$0x1C700] =	vst v63  }
0x2a0: {  	s18 =	sadd.s32 $0x480, s16;
	s20 =	simm.s32 $0x1C000  }
0x2a1: {  	[hbm4b:s18+s3] =	stream.linear.scatter [tilespmem:s20], [sflag:$0x2], $0x80, $0x38;
	[tilespmem:$0x1C700] =	vst v63  }
0x2a2: {  	s18 =	sadd.s32 $0x500, s16;
	s20 =	simm.s32 $0x1C100  }
0x2a3: {  	[hbm4b:s18+s3] =	stream.linear.scatter [tilespmem:s20], [sflag:$0x2], $0x80, $0x38;
	[tilespmem:$0x1C700] =	vst v63  }
0x2a4: {  	s18 =	sadd.s32 $0x580, s16;
	s20 =	simm.s32 $0x1C200  }
0x2a5: {  	[hbm4b:s18+s3] =	stream.linear.scatter [tilespmem:s20], [sflag:$0x2], $0x80, $0x38;
	[tilespmem:$0x1C700] =	vst v63  }
0x2a6: {  	s18 =	sadd.s32 $0x600, s16;
	s20 =	simm.s32 $0x1C300  }
0x2a7: {  	[hbm4b:s18+s3] =	stream.linear.scatter [tilespmem:s20], [sflag:$0x2], $0x80, $0x38;
	[tilespmem:$0x1C700] =	vst v63  }
0x2a8: {  	s18 =	sadd.s32 $0x680, s16;
	s20 =	simm.s32 $0x1C400  }
0x2a9: {  	[hbm4b:s18+s3] =	stream.linear.scatter [tilespmem:s20], [sflag:$0x2], $0x80, $0x38;
	[tilespmem:$0x1C700] =	vst v63  }
0x2aa: {  	s18 =	sadd.s32 $0x700, s16;
	s20 =	simm.s32 $0x1C500  }
0x2ab: {  	[hbm4b:s18+s3] =	stream.linear.scatter [tilespmem:s20], [sflag:$0x2], $0x80, $0x38;
	[tilespmem:$0x1C700] =	vst v63  }
0x2ac: {  	s18 =	sadd.s32 $0x780, s16;
	s20 =	simm.s32 $0x1C600  }
0x2ad: {  	[hbm4b:s18+s3] =	stream.linear.scatter [tilespmem:s20], [sflag:$0x2], $0x80, $0x38;
	[tilespmem:$0x1C700] =	vst v63  }
0x2ae: {  	_ =	swait.ge [sflag:s7], $0x800  }
0x2af: {  	[sflag:s7] =	ssyncset.done $0x0  }
0x2b0: {  	s20 =	simm.s32 $0x19F70;
	[sflag:s7] =	ssyncadd.s32 $0xFFFFF800  }
0x2b1: {  	v0 =	vld [tilespmem:s20+$0x0]  }
0x2b2: {  	v1 =	vld [tilespmem:s20+$0xFFFFFFA0]  }
0x2b3: {  	v2 =	vld [tilespmem:s20+$0xFFFFFFB0]  }
0x2b4: {  	v3 =	vld [tilespmem:s20+$0xFFFFFFC0]  }
0x2b5: {  	v5 =	vld [tilespmem:s20+$0xFFFFFFD0]  }
0x2b6: {  	v6 =	vld [tilespmem:s20+$0xFFFFFFE0]  }
0x2b7: {  	v7 =	vld [tilespmem:s20+$0xFFFFFFF0]  }
0x2b8: {  	s13 =	simm.s32 $0x1A7F0;
	v8 =	vld [tilespmem:s20+$0xFFFFFF90]  }
0x2b9: {  	v11 =	vld [tilespmem:s13+$0x0]  }
0x2ba: {  	v14 =	vld [tilespmem:s13+$0xFFFFFFA0]  }
0x2bb: {  	v9 =	vld [tilespmem:s13+$0xFFFFFFB0]  }
0x2bc: {  	v10 =	vld.idx.msk [tilespmem:v0+s3+$0x0], $0xffff  }
0x2bd: {  	v12 =	vld.idx.msk [tilespmem:v1+s3+$0x0], $0xffff  }
0x2be: {  	v4 =	vld.idx.msk [tilespmem:v2+s3+$0x0], $0xffff  }
0x2bf: {  	v3 =	vld.idx.msk [tilespmem:v3+s3+$0x0], $0xffff  }
0x2c0: {  	v13 =	vld.idx.msk [tilespmem:v8+s3+$0x0], $0xffff  }
0x2c1: {  	v1 =	vld.idx.msk [tilespmem:v7+s3+$0x0], $0xffff  }
0x2c2: {  	v7 =	vld [tilespmem:s13+$0xFFFFFF90]  }
0x2c3: {  	v2 =	vld.idx.msk [tilespmem:v5+s3+$0x0], $0xffff  }
0x2c4: {  	v0 =	vld.idx.msk [tilespmem:v6+s3+$0x0], $0xffff  }
0x2c5: {  	v8 =	vld [tilespmem:s13+$0xFFFFFFC0]  }
0x2c6: {  	v6 =	vld [tilespmem:s13+$0xFFFFFFD0];
	v10 =	vadd.f32 v11, v10  }
0x2c7: {  	s18 =	simm.s32 $0x1B7F0;
	v5 =	vld [tilespmem:s13+$0xFFFFFFE0];
	v11 =	vadd.f32 v7, v13  }
0x2c8: {  	s30 =	simm.s32 $0x19FF0;
	s20 =	simm.s32 $0x0;
	v7 =	vld [tilespmem:s13+$0xFFFFFFF0];
	[tilespmem:s18+$0x0] =	vst v10;
	v10 =	vadd.f32 v14, v12  }
.LBB2_16:
0x2c9: {  	v12 =	vld [tilespmem:s30+$0x0];
	s20 =	sadd.s32 $0x80, s20;
	[tilespmem:s18+$0xFFFFFF90] =	vst v11;
	v4 =	vadd.f32 v9, v4  }
0x2ca: {  	v9 =	vld [tilespmem:s30+$0xFFFFFFA0];
	p0 =	slt.u32 s20, $0x780;
	[tilespmem:s18+$0xFFFFFFA0] =	vst v10;
	v3 =	vadd.f32 v8, v3  }
0x2cb: {  	v8 =	vld [tilespmem:s30+$0xFFFFFFB0];
	[tilespmem:s18+$0xFFFFFFB0] =	vst v4;
	v2 =	vadd.f32 v6, v2  }
0x2cc: {  	v6 =	vld [tilespmem:s30+$0xFFFFFFC0];
	[tilespmem:s18+$0xFFFFFFC0] =	vst v3;
	v0 =	vadd.f32 v5, v0  }
0x2cd: {  	v5 =	vld [tilespmem:s30+$0xFFFFFFD0];
	[tilespmem:s18+$0xFFFFFFD0] =	vst v2;
	v1 =	vadd.f32 v7, v1  }
0x2ce: {  	v7 =	vld [tilespmem:s30+$0xFFFFFFE0];
	[tilespmem:s18+$0xFFFFFFE0] =	vst v0  }
0x2cf: {  	v10 =	vld [tilespmem:s30+$0xFFFFFFF0];
	[tilespmem:s18+$0xFFFFFFF0] =	vst v1  }
0x2d0: {  	v1 =	vld [tilespmem:s30+$0xFFFFFF90]  }
0x2d1: {  	s13 =	sadd.s32 $0x100, s13;
	v11 =	vld.idx.msk [tilespmem:v12+s3+$0x0], $0xffff  }
0x2d2: {  	v12 =	vld [tilespmem:s13+$0x0]  }
0x2d3: {  	v13 =	vld.idx.msk [tilespmem:v9+s3+$0x0], $0xffff  }
0x2d4: {  	v4 =	vld.idx.msk [tilespmem:v8+s3+$0x0], $0xffff  }
0x2d5: {  	v3 =	vld.idx.msk [tilespmem:v6+s3+$0x0], $0xffff  }
0x2d6: {  	v2 =	vld.idx.msk [tilespmem:v5+s3+$0x0], $0xffff  }
0x2d7: {  	v0 =	vld.idx.msk [tilespmem:v7+s3+$0x0], $0xffff;
	v5 =	vadd.f32 v12, v11  }
0x2d8: {  	s18 =	sadd.s32 $0x100, s18;
	v7 =	vld.idx.msk [tilespmem:v1+s3+$0x0], $0xffff  }
0x2d9: {  	v1 =	vld.idx.msk [tilespmem:v10+s3+$0x0], $0xffff;
	[tilespmem:s18+$0x0] =	vst v5  }
0x2da: {  	v5 =	vld [tilespmem:s13+$0xFFFFFF90]  }
0x2db: {  	v10 =	vld [tilespmem:s13+$0xFFFFFFA0]  }
.Ltmp7:
0x2dc: {  	v9 =	vld [tilespmem:s13+$0xFFFFFFB0];
	(pc) =	sbr.rel @p0 .LBB2_16-.Ltmp7, $4  }
0x2dd: {  	v8 =	vld [tilespmem:s13+$0xFFFFFFC0]  }
0x2de: {  	v6 =	vld [tilespmem:s13+$0xFFFFFFD0]  }
0x2df: {  	v11 =	vadd.f32 v5, v7;
	v5 =	vld [tilespmem:s13+$0xFFFFFFE0]  }
0x2e0: {  	s30 =	sadd.s32 $0x80, s30;
	v10 =	vadd.f32 v10, v13;
	v7 =	vld [tilespmem:s13+$0xFFFFFFF0]  }
0x2e1: {  	[tilespmem:s18+$0xFFFFFF90] =	vst v11;
	v4 =	vadd.f32 v9, v4  }
0x2e2: {  	[tilespmem:s18+$0xFFFFFFA0] =	vst v10;
	v3 =	vadd.f32 v8, v3  }
0x2e3: {  	[tilespmem:s18+$0xFFFFFFB0] =	vst v4;
	v2 =	vadd.f32 v6, v2  }
0x2e4: {  	[tilespmem:s18+$0xFFFFFFC0] =	vst v3;
	v0 =	vadd.f32 v5, v0  }
0x2e5: {  	[tilespmem:s18+$0xFFFFFFD0] =	vst v2;
	v1 =	vadd.f32 v7, v1  }
0x2e6: {  	[tilespmem:s18+$0xFFFFFFE0] =	vst v0  }
0x2e7: {  	s13 =	simm.s32 $0x1B780;
	[tilespmem:s18+$0xFFFFFFF0] =	vst v1  }
0x2e8: {  	[hbm4b:s17+s3] =	stream.linear.scatter [tilespmem:s13], [sflag:$0x3], $0x80, $0x38;
	[tilespmem:$0x1C700] =	vst v63  }
0x2e9: {  	s20 =	sadd.s32 $0x80, s17;
	s30 =	simm.s32 $0x1B880  }
0x2ea: {  	[hbm4b:s20+s3] =	stream.linear.scatter [tilespmem:s30], [sflag:$0x3], $0x80, $0x38;
	[tilespmem:$0x1C700] =	vst v63  }
0x2eb: {  	s20 =	sadd.s32 $0x100, s17;
	s30 =	simm.s32 $0x1B980  }
0x2ec: {  	[hbm4b:s20+s3] =	stream.linear.scatter [tilespmem:s30], [sflag:$0x3], $0x80, $0x38;
	[tilespmem:$0x1C700] =	vst v63  }
0x2ed: {  	s20 =	sadd.s32 $0x180, s17  }
0x2ee: {  	[hbm4b:s20+s3] =	stream.linear.scatter [tilespmem:s21], [sflag:$0x3], $0x80, $0x38;
	[tilespmem:$0x1C700] =	vst v63  }
0x2ef: {  	s30 =	sadd.s32 $0x200, s17  }
0x2f0: {  	[hbm4b:s30+s3] =	stream.linear.scatter [tilespmem:s31], [sflag:$0x3], $0x80, $0x38;
	[tilespmem:$0x1C700] =	vst v63  }
0x2f1: {  	s18 =	sadd.s32 $0x280, s17  }
0x2f2: {  	[hbm4b:s18+s3] =	stream.linear.scatter [tilespmem:s2], [sflag:$0x3], $0x80, $0x38;
	[tilespmem:$0x1C700] =	vst v63  }
0x2f3: {  	s20 =	sadd.s32 $0x300, s17  }
0x2f4: {  	[hbm4b:s20+s3] =	stream.linear.scatter [tilespmem:s1], [sflag:$0x3], $0x80, $0x38;
	[tilespmem:$0x1C700] =	vst v63  }
0x2f5: {  	s30 =	sadd.s32 $0x380, s17  }
0x2f6: {  	[hbm4b:s30+s3] =	stream.linear.scatter [tilespmem:s22], [sflag:$0x3], $0x80, $0x38;
	[tilespmem:$0x1C700] =	vst v63  }
0x2f7: {  	s18 =	sadd.s32 $0x400, s17  }
0x2f8: {  	[hbm4b:s18+s3] =	stream.linear.scatter [tilespmem:s23], [sflag:$0x3], $0x80, $0x38;
	[tilespmem:$0x1C700] =	vst v63  }
0x2f9: {  	s20 =	sadd.s32 $0x480, s17  }
0x2fa: {  	[hbm4b:s20+s3] =	stream.linear.scatter [tilespmem:s24], [sflag:$0x3], $0x80, $0x38;
	[tilespmem:$0x1C700] =	vst v63  }
0x2fb: {  	s30 =	sadd.s32 $0x500, s17  }
0x2fc: {  	[hbm4b:s30+s3] =	stream.linear.scatter [tilespmem:s25], [sflag:$0x3], $0x80, $0x38;
	[tilespmem:$0x1C700] =	vst v63  }
0x2fd: {  	s18 =	sadd.s32 $0x580, s17  }
0x2fe: {  	[hbm4b:s18+s3] =	stream.linear.scatter [tilespmem:s26], [sflag:$0x3], $0x80, $0x38;
	[tilespmem:$0x1C700] =	vst v63  }
0x2ff: {  	s20 =	sadd.s32 $0x600, s17  }
0x300: {  	[hbm4b:s20+s3] =	stream.linear.scatter [tilespmem:s28], [sflag:$0x3], $0x80, $0x38;
	[tilespmem:$0x1C700] =	vst v63  }
0x301: {  	s30 =	sadd.s32 $0x680, s17  }
0x302: {  	[hbm4b:s30+s3] =	stream.linear.scatter [tilespmem:s0], [sflag:$0x3], $0x80, $0x38;
	[tilespmem:$0x1C700] =	vst v63  }
0x303: {  	s18 =	sadd.s32 $0x700, s17  }
0x304: {  	[hbm4b:s18+s3] =	stream.linear.scatter [tilespmem:s4], [sflag:$0x3], $0x80, $0x38;
	[tilespmem:$0x1C700] =	vst v63  }
0x305: {  	s20 =	sadd.s32 $0x780, s17  }
0x306: {  	[hbm4b:s20+s3] =	stream.linear.scatter [tilespmem:s5], [sflag:$0x3], $0x80, $0x38;
	[tilespmem:$0x1C700] =	vst v63  }
0x307: {  	_ =	swait.ge [sflag:s6], $0x800  }
0x308: {  	[sflag:s6] =	ssyncset.done $0x0  }
0x309: {  	[sflag:s6] =	ssyncadd.s32 $0xFFFFF800  }
0x30a: {  	_ =	swait.ge [sflag:s7], $0x800  }
0x30b: {  	s8 =	sadd.s32 $0x1, s8;
	s30 =	rddreg [dreg:$0xb]  }
0x30c: {  	p0 =	sne.s32 s8, s30  }
.Ltmp8:
0x30d: {  	_ = 	snop;
	(pc) =	sbr.rel @p0 .LBB2_1-.Ltmp8, $3  }
0x30e: {  	_ =	sdelay $0x1  }
0x30f: {  	[sflag:s7] =	ssyncset.done $0x0  }
0x310: {  	[sflag:s7] =	ssyncadd.s32 $0xFFFFF800  }
0x311: {  	_ =	sfence.sel $0x180000  }
0x312: {  	[bflag:$0x0] =	sbarrier.arrive $0xFFFF  }
0x313: {  	_ =	strace $0x90000047  }
0x314: {  	s0 =	stileid.u32;
	[bflag:$0x2] =	sbarrier.arrive $0xFFFF  }
0x315: {  	p0 =	sne.s32 s0, $0x0;
	s0 =	rddreg [dreg:$0x4]  }
0x316: {  	s0 =	sadd.s32 @!p0 $0x100000, s0  }
0x317: {  	[sflag:s0] =	ssyncadd.tile.s32 @!p0 $0x1;
	_ =	shalt  }
.Lfunc_end2:
_tile_overlayer_lowered:
.L_overlay_start_2:
0x318: {  	(tag) =	ssettag $0x2  }
0x319: {  	s0 =	rddreg [dreg:$0x0];
	s2 =	stileid.u32  }
0x31a: {  	s1 =	rddreg [dreg:$0x1];
	p0 =	sne.s32 s2, $0x0  }
0x31b: {  	s3 =	rddreg [dreg:$0x2];
	[bflag:$0x3] =	sbarrier.arrive $0xFFFF;
	s2 =	simm.s32 @!p0 $0x1C05  }
0x31c: {  	[timem:s3], [sflag:s2] =	dma.local @!p0 [hbm:s0], s1  }
0x31d: {  	s0 =	simm.s32 @!p0 $0x5  }
0x31e: {  	_ =	swait.ge @!p0 [sflag:s0], s1  }
0x31f: {  	s1 =	ssub.s32 @!p0 $0x0, s1;
	[sflag:s0] =	ssyncset.done @!p0 $0x0  }
0x320: {  	[sflag:s0] =	ssyncadd.s32 @!p0 s1  }
0x321: {  	[bflag:$0x3] =	sbarrier.arrive $0xFFFF  }
0x322: {  	_ =	shalt  }

</sc_bundles>
